<compile_context>
chip_gen: v7x
topology: tpu7x:2x2x1
jax: 0.10.2.dev20260603
libtpu: 0.0.44.dev20260713+nightly
codegen_flags: <defaults>
</compile_context>

<pallas_src>
import functools

import jax
import jax.numpy as jnp
from jax import lax
from jax.experimental import pallas as pl
from jax.experimental.pallas import tpu as pltpu
from jax.experimental.pallas import tpu_sc as plsc

NC = 2
NS = 16
NW = NC * NS
K = 128
PAD_ROWS = 8

_MESH = dict(core_axis_name="c", subcore_axis_name="s")



@functools.lru_cache(maxsize=None)
def _make_deg_kernel(n, d, nchunk):
    rp = n // NS

    @functools.partial(
        pl.kernel,
        out_type=jax.ShapeDtypeStruct((NC, NS, rp, d), jnp.float32),
        mesh=plsc.VectorSubcoreMesh(**_MESH),
        scratch_types=[
            pltpu.VMEM((nchunk, K), jnp.int32),
            pltpu.VMEM((K, d), jnp.float32),
            pltpu.VMEM_SHARED((n + PAD_ROWS, d), jnp.float32),
        ],
    )
    def deg_kernel(row_hbm, ones_hbm, zeros_hbm, out_hbm, idx_v, ones_v, acc_sh):
        cid = lax.axis_index("c")
        sid = lax.axis_index("s")
        wid = cid * NS + sid
        pltpu.sync_copy(ones_hbm, ones_v)
        pltpu.sync_copy(zeros_hbm, acc_sh.at[pl.ds(sid * rp, rp)])
        pltpu.sync_copy(row_hbm.at[wid], idx_v)
        plsc.subcore_barrier()

        @pl.loop(0, nchunk)
        def _(j):
            pltpu.sync_copy(ones_v, acc_sh.at[idx_v.at[j]], add=True)

        plsc.subcore_barrier()
        pltpu.sync_copy(acc_sh.at[pl.ds(sid * rp, rp)], out_hbm.at[cid, sid])

    return deg_kernel


@functools.lru_cache(maxsize=None)
def _make_edge_kernel(n, d, nchunk):
    rp = n // NS

    @functools.partial(
        pl.kernel,
        out_type=jax.ShapeDtypeStruct((NC, NS, rp, d), jnp.float32),
        mesh=plsc.VectorSubcoreMesh(**_MESH),
        scratch_types=[
            pltpu.VMEM((nchunk, K), jnp.int32),
            pltpu.VMEM((nchunk, K), jnp.int32),
            pltpu.VMEM((K, d), jnp.float32),
            pltpu.VMEM_SHARED((n + PAD_ROWS, d), jnp.float32),
            pltpu.SemaphoreType.DMA,
        ],
    )
    def edge_kernel(hq_hbm, row_hbm, col_hbm, zeros_hbm, out_hbm,
                    ridx_v, cidx_v, rows_v, acc_sh, sem):
        cid = lax.axis_index("c")
        sid = lax.axis_index("s")
        wid = cid * NS + sid
        pltpu.sync_copy(zeros_hbm, acc_sh.at[pl.ds(sid * rp, rp)])
        pltpu.sync_copy(row_hbm.at[wid], ridx_v)
        pltpu.sync_copy(col_hbm.at[wid], cidx_v)
        plsc.subcore_barrier()

        @pl.loop(0, nchunk)
        def _(j):
            pltpu.async_copy(hq_hbm.at[ridx_v.at[j]], rows_v, sem).wait()
            pltpu.sync_copy(rows_v, acc_sh.at[cidx_v.at[j]], add=True)

        plsc.subcore_barrier()
        pltpu.sync_copy(acc_sh.at[pl.ds(sid * rp, rp)], out_hbm.at[cid, sid])

    return edge_kernel



def _layer_block(h, g_row, gb, nd):
    p = jnp.sum(h * g_row, axis=1, keepdims=True) + gb
    return h * (jnp.tanh(p) * nd)


def _t1_body(deg_ref, x_ref, wt_ref, b_ref, g_ref, gb_ref,
             h_ref, hq_ref, nd_ref):
    deg = deg_ref[...]
    d = (deg[0] + deg[1])[:, 0:1]
    nd = lax.rsqrt(jnp.maximum(d, 1.0))
    h = jnp.dot(x_ref[...], wt_ref[...],
                preferred_element_type=jnp.float32) + b_ref[...]
    h_ref[...] = h
    hq_ref[...] = _layer_block(h, g_ref[...], gb_ref[0, 0], nd)
    nd_ref[...] = nd


def _t2_body(acc_ref, h1_ref, nd_ref, wt_ref, b_ref, g_ref, gb_ref,
             h2_ref, hq2_ref):
    acc = acc_ref[...]
    nd = nd_ref[...]
    o = nd * (acc[0] + acc[1]) + h1_ref[...]
    r = jnp.maximum(o, 0.0)
    h2 = jnp.dot(r, wt_ref[...], preferred_element_type=jnp.float32) + b_ref[...]
    h2_ref[...] = h2
    hq2_ref[...] = _layer_block(h2, g_ref[...], gb_ref[0, 0], nd)


def _t3_body(acc_ref, h2_ref, nd_ref, out_ref):
    acc = acc_ref[...]
    out_ref[...] = nd_ref[...] * (acc[0] + acc[1]) + h2_ref[...]


@functools.lru_cache(maxsize=None)
def _make_tc_kernels(n, d, blk):
    grid = (n // blk,)
    f32 = jnp.float32

    def bs(shape, imap):
        return pl.BlockSpec(shape, imap)

    row_map = lambda i: (i, 0)
    full_map = lambda i: (0, 0)

    t1 = pl.pallas_call(
        _t1_body,
        grid=grid,
        in_specs=[
            bs((2, blk, d), lambda i: (0, i, 0)),
            bs((blk, d), row_map),
            bs((d, d), full_map),
            bs((1, d), full_map),
            bs((1, d), full_map),
            bs((1, 1), full_map),
        ],
        out_specs=[
            bs((blk, d), row_map),
            bs((blk, d), row_map),
            bs((blk, 1), row_map),
        ],
        out_shape=[
            jax.ShapeDtypeStruct((n, d), f32),
            jax.ShapeDtypeStruct((n, d), f32),
            jax.ShapeDtypeStruct((n, 1), f32),
        ],
    )

    t2 = pl.pallas_call(
        _t2_body,
        grid=grid,
        in_specs=[
            bs((2, blk, d), lambda i: (0, i, 0)),
            bs((blk, d), row_map),
            bs((blk, 1), row_map),
            bs((d, d), full_map),
            bs((1, d), full_map),
            bs((1, d), full_map),
            bs((1, 1), full_map),
        ],
        out_specs=[
            bs((blk, d), row_map),
            bs((blk, d), row_map),
        ],
        out_shape=[
            jax.ShapeDtypeStruct((n, d), f32),
            jax.ShapeDtypeStruct((n, d), f32),
        ],
    )

    t3 = pl.pallas_call(
        _t3_body,
        grid=grid,
        in_specs=[
            bs((2, blk, d), lambda i: (0, i, 0)),
            bs((blk, d), row_map),
            bs((blk, 1), row_map),
        ],
        out_specs=bs((blk, d), row_map),
        out_shape=jax.ShapeDtypeStruct((n, d), f32),
    )

    return t1, t2, t3



def kernel(x, edge_index, W1, b1, G1, gb1, W2, b2, G2, gb2):
    n, d = x.shape
    e = edge_index.shape[1]
    per_w = -(-e // (NW * K)) * K
    nchunk = per_w // K
    pad = per_w * NW - e

    ei = edge_index.astype(jnp.int32)
    row = ei[0]
    col = ei[1]
    row_deg = jnp.concatenate(
        [row, jnp.full((pad,), n, jnp.int32)]).reshape(NW, nchunk, K)
    row_feat = jnp.concatenate(
        [row, jnp.zeros((pad,), jnp.int32)]).reshape(NW, nchunk, K)
    col_pad = jnp.concatenate(
        [col, jnp.full((pad,), n, jnp.int32)]).reshape(NW, nchunk, K)

    ones_d = jnp.ones((K, d), jnp.float32)
    zeros_d = jnp.zeros((n // NS, d), jnp.float32)

    deg_k = _make_deg_kernel(n, d, nchunk)
    edge_k = _make_edge_kernel(n, d, nchunk)
    t1, t2, t3 = _make_tc_kernels(n, d, 400)

    deg2 = deg_k(row_deg, ones_d, zeros_d).reshape(NC, n, d)
    h1, hq1, nd = t1(deg2, x, W1.T, b1.reshape(1, d), G1,
                     gb1.reshape(1, 1))
    acc1 = edge_k(hq1, row_feat, col_pad, zeros_d).reshape(NC, n, d)
    h2, hq2 = t2(acc1, h1, nd, W2.T, b2.reshape(1, d), G2,
                 gb2.reshape(1, 1))
    acc2 = edge_k(hq2, row_feat, col_pad, zeros_d).reshape(NC, n, d)
    return t3(acc2, h2, nd)

# --- scband reference (transcript-rebuilt; emitter-appended) ---
"""Pipeline reference for scband-gnnencoder-17308718203031 (READ-ONLY COPY).

The authoritative reference and input builder live on the scoring server;
editing this copy changes nothing except your own understanding.
"""

import jax, jax.numpy as jnp
import numpy as np

N = 10000
E = 320000
D = 128


def _xavier(k, shape, gain=1.414):
    fan_out, fan_in = shape[0], shape[1]
    std = gain * np.sqrt(2.0 / (fan_in + fan_out))
    return jax.random.normal(k, shape, dtype=jnp.float32) * std


def falayer(h, row, col, Wt, bt, Wg, bg):
    # transform
    h = h @ Wt.T + bt
    n = h.shape[0]
    # degree of source nodes (row), clamped at 1, to power -0.5
    deg = jax.ops.segment_sum(jnp.ones(row.shape[0], dtype=h.dtype), row, num_segments=n)
    nd = jnp.power(jnp.maximum(deg, 1.0), -0.5)
    # gate over gathered source features
    g = jnp.tanh(h[row] @ Wg.T + bg)
    g = jnp.squeeze(g, axis=-1)
    norm = g * nd[row] * nd[col]
    # message = norm * x_j (x_j = source features), aggregated (add) at target nodes (col)
    msg = norm[:, None] * h[row]
    out = jax.ops.segment_sum(msg, col, num_segments=n)
    return out + h


def setup_inputs(seed: int = 0) -> dict:
    key = jax.random.key(seed)
    ks = jax.random.split(key, 8)
    x = jax.random.normal(ks[0], (N, D), dtype=jnp.float32)
    edge_index = jax.random.randint(ks[1], (2, E), 0, N).astype(jnp.int64)
    W1 = _xavier(ks[2], (D, D))
    b1 = jnp.zeros((D,), dtype=jnp.float32)
    G1 = _xavier(ks[3], (1, D))
    gb1 = jnp.zeros((1,), dtype=jnp.float32)
    W2 = _xavier(ks[4], (D, D))
    b2 = jnp.zeros((D,), dtype=jnp.float32)
    G2 = _xavier(ks[5], (1, D))
    gb2 = jnp.zeros((1,), dtype=jnp.float32)
    return {"x": x, "edge_index": edge_index,
            "W1": W1, "b1": b1, "G1": G1, "gb1": gb1,
            "W2": W2, "b2": b2, "G2": G2, "gb2": gb2}


def reference(x, edge_index, W1, b1, G1, gb1, W2, b2, G2, gb2):
    row = edge_index[0]
    col = edge_index[1]
    h = falayer(x, row, col, W1, b1, G1, gb1)
    # inter-layer activation (dropout=0.0 -> identity in eval)
    h = jax.nn.relu(h)
    h = falayer(h, row, col, W2, b2, G2, gb2)
    return h

if __name__ == "__main__":
    import jax
    _d = setup_inputs()
    print(jax.jit(kernel)(*tuple(_d.values())))

</pallas_src>

<mosaic_0001>
#map = affine_map<(d0, d1) -> (0, 0, 0)>
#map1 = affine_map<(d0, d1) -> (0, 0)>
#map2 = affine_map<(d0, d1) -> (0, 0, 0, 0)>
module attributes {stable_mosaic.version = 14 : i64} {
  func.func @deg_kernel(%arg0: i32, %arg1: i32, %arg2: memref<32x79x128xi32, #tpu.memory_space<hbm>>, %arg3: memref<128x128xf32, #tpu.memory_space<hbm>>, %arg4: memref<625x128xf32, #tpu.memory_space<hbm>>, %arg5: memref<2x16x625x128xf32, #tpu.memory_space<hbm>>, %arg6: memref<79x128xi32, #tpu.memory_space<vmem>>, %arg7: memref<128x128xf32, #tpu.memory_space<vmem>>, %arg8: memref<10008x128xf32, #tpu.memory_space<vmem_shared>>) attributes {dimension_semantics = [#tpu.dimension_semantics<core_parallel>, #tpu.dimension_semantics<subcore_parallel>], iteration_bounds = array<i64: 2, 16>, scalar_prefetch = 0 : i64, scratch_operands = 3 : i64, tpu.core_type = #tpu.core_type<sc_vector_subcore>, window_params = [{transform_indices = #map}, {transform_indices = #map1}, {transform_indices = #map1}, {transform_indices = #map2}]} {
    %mul3A = arith.constant 16 : i32
    %mul3A_0 = arith.muli %arg0, %mul3A : i32
    %add3A = arith.addi %mul3A_0, %arg1 : i32
    "tpu.region"() ({
      %run_scoped3A = tpu.sem_alloc : memref<!tpu.dma_semaphore, #tpu.memory_space<semaphore_mem>>
      tpu.enqueue_dma source(%arg3 : memref<128x128xf32, #tpu.memory_space<hbm>>) target(%arg7 : memref<128x128xf32, #tpu.memory_space<vmem>>) target_semaphore(%run_scoped3A : memref<!tpu.dma_semaphore, #tpu.memory_space<semaphore_mem>>)
      tpu.wait_dma2 semaphore(%run_scoped3A : memref<!tpu.dma_semaphore, #tpu.memory_space<semaphore_mem>>) src(%arg3 : memref<128x128xf32, #tpu.memory_space<hbm>>) dst(%arg7 : memref<128x128xf32, #tpu.memory_space<vmem>>)
      tpu.yield
    }) : () -> ()
    %mul3A_1 = arith.constant 625 : i32
    %mul3A_2 = arith.muli %arg1, %mul3A_1 : i32
    "tpu.region"() ({
      %run_scoped3A = tpu.sem_alloc : memref<!tpu.dma_semaphore, #tpu.memory_space<semaphore_mem>>
      %dma_start3A = arith.constant 0 : i32
      %dma_start3A_10 = tpu.memref_slice %arg8[%mul3A_2, %dma_start3A] : memref<10008x128xf32, #tpu.memory_space<vmem_shared>> -> memref<625x128xf32, #tpu.memory_space<vmem_shared>>
      tpu.enqueue_dma source(%arg4 : memref<625x128xf32, #tpu.memory_space<hbm>>) target(%dma_start3A_10 : memref<625x128xf32, #tpu.memory_space<vmem_shared>>) target_semaphore(%run_scoped3A : memref<!tpu.dma_semaphore, #tpu.memory_space<semaphore_mem>>)
      %dma_wait3A = arith.constant 0 : i32
      %dma_wait3A_11 = tpu.memref_slice %arg8[%mul3A_2, %dma_wait3A] : memref<10008x128xf32, #tpu.memory_space<vmem_shared>> -> memref<625x128xf32, #tpu.memory_space<vmem_shared>>
      tpu.wait_dma2 semaphore(%run_scoped3A : memref<!tpu.dma_semaphore, #tpu.memory_space<semaphore_mem>>) src(%arg4 : memref<625x128xf32, #tpu.memory_space<hbm>>) dst(%dma_wait3A_11 : memref<625x128xf32, #tpu.memory_space<vmem_shared>>)
      tpu.yield
    }) : () -> ()
    "tpu.region"() ({
      %run_scoped3A = tpu.sem_alloc : memref<!tpu.dma_semaphore, #tpu.memory_space<semaphore_mem>>
      %dma_start3A = arith.constant 0 : i32
      %dma_start3A_10 = arith.constant 0 : i32
      %dma_start3A_11 = tpu.memref_slice %arg2[%add3A, %dma_start3A, %dma_start3A_10] : memref<32x79x128xi32, #tpu.memory_space<hbm>> -> memref<1x79x128xi32, #tpu.memory_space<hbm>>
      %dma_start3A_12 = tpu.memref_squeeze %dma_start3A_11 : memref<1x79x128xi32, #tpu.memory_space<hbm>> -> memref<79x128xi32, #tpu.memory_space<hbm>>
      %dma_start3A_13 = arith.constant 0 : i32
      %dma_start3A_14 = arith.constant 0 : i32
      %dma_start3A_15 = tpu.memref_slice %arg2[%add3A, %dma_start3A_13, %dma_start3A_14] : memref<32x79x128xi32, #tpu.memory_space<hbm>> -> memref<1x79x128xi32, #tpu.memory_space<hbm>>
      %dma_start3A_16 = tpu.memref_squeeze %dma_start3A_15 : memref<1x79x128xi32, #tpu.memory_space<hbm>> -> memref<79x128xi32, #tpu.memory_space<hbm>>
      tpu.enqueue_dma source(%dma_start3A_16 : memref<79x128xi32, #tpu.memory_space<hbm>>) target(%arg6 : memref<79x128xi32, #tpu.memory_space<vmem>>) target_semaphore(%run_scoped3A : memref<!tpu.dma_semaphore, #tpu.memory_space<semaphore_mem>>)
      %dma_wait3A = arith.constant 0 : i32
      %dma_wait3A_17 = arith.constant 0 : i32
      %dma_wait3A_18 = tpu.memref_slice %arg2[%add3A, %dma_wait3A, %dma_wait3A_17] : memref<32x79x128xi32, #tpu.memory_space<hbm>> -> memref<1x79x128xi32, #tpu.memory_space<hbm>>
      %dma_wait3A_19 = tpu.memref_squeeze %dma_wait3A_18 : memref<1x79x128xi32, #tpu.memory_space<hbm>> -> memref<79x128xi32, #tpu.memory_space<hbm>>
      %dma_wait3A_20 = arith.constant 0 : i32
      %dma_wait3A_21 = arith.constant 0 : i32
      %dma_wait3A_22 = tpu.memref_slice %arg2[%add3A, %dma_wait3A_20, %dma_wait3A_21] : memref<32x79x128xi32, #tpu.memory_space<hbm>> -> memref<1x79x128xi32, #tpu.memory_space<hbm>>
      %dma_wait3A_23 = tpu.memref_squeeze %dma_wait3A_22 : memref<1x79x128xi32, #tpu.memory_space<hbm>> -> memref<79x128xi32, #tpu.memory_space<hbm>>
      tpu.wait_dma2 semaphore(%run_scoped3A : memref<!tpu.dma_semaphore, #tpu.memory_space<semaphore_mem>>) src(%dma_wait3A_23 : memref<79x128xi32, #tpu.memory_space<hbm>>) dst(%arg6 : memref<79x128xi32, #tpu.memory_space<vmem>>)
      tpu.yield
    }) : () -> ()
    %barrier3A = arith.constant 0 : index
    tpu.barrier barrier_id(%barrier3A)
    %scan3A = arith.constant 0 : i32
    %scan3A_3 = arith.constant 79 : i32
    %scan3A_4 = arith.addi %scan3A, %scan3A_3 : i32
    %scan3A_5 = arith.constant 1 : i32
    scf.for %scan3A_10 = %scan3A to %scan3A_4 step %scan3A_5  : i32 {
      %mul3A_11 = arith.constant 1 : i32
      %mul3A_12 = arith.muli %scan3A_10, %mul3A_11 : i32
      %add3A_13 = arith.constant 0 : i32
      %add3A_14 = arith.addi %add3A_13, %mul3A_12 : i32
      "tpu.region"() ({
        %run_scoped3A = tpu.sem_alloc : memref<!tpu.dma_semaphore, #tpu.memory_space<semaphore_mem>>
        %dma_start3A = arith.constant 0 : i32
        %dma_start3A_15 = tpu.memref_slice %arg6[%add3A_14, %dma_start3A] : memref<79x128xi32, #tpu.memory_space<vmem>> -> memref<1x128xi32, #tpu.memory_space<vmem>>
        %dma_start3A_16 = tpu.memref_squeeze %dma_start3A_15 : memref<1x128xi32, #tpu.memory_space<vmem>> -> memref<128xi32, #tpu.memory_space<vmem>>
        %dma_start3A_17 = arith.constant 0 : i32
        %dma_start3A_18 = arith.constant 0 : i32
        %dma_start3A_19 = tpu.memref_slice %arg8[%dma_start3A_17, %dma_start3A_18] : memref<10008x128xf32, #tpu.memory_space<vmem_shared>> -> memref<10008x128xf32, #tpu.memory_space<vmem_shared>>
        tpu.enqueue_indirect_dma source(%arg7 : memref<128x128xf32, #tpu.memory_space<vmem>>) target(%dma_start3A_19 : memref<10008x128xf32, #tpu.memory_space<vmem_shared>>) offsets(%dma_start3A_16 : memref<128xi32, #tpu.memory_space<vmem>>) semaphore(%run_scoped3A : memref<!tpu.dma_semaphore, #tpu.memory_space<semaphore_mem>>) {add = true}
        %dma_wait3A = arith.constant 0 : i32
        %dma_wait3A_20 = tpu.memref_slice %arg6[%add3A_14, %dma_wait3A] : memref<79x128xi32, #tpu.memory_space<vmem>> -> memref<1x128xi32, #tpu.memory_space<vmem>>
        %dma_wait3A_21 = tpu.memref_squeeze %dma_wait3A_20 : memref<1x128xi32, #tpu.memory_space<vmem>> -> memref<128xi32, #tpu.memory_space<vmem>>
        %dma_wait3A_22 = arith.constant 0 : i32
        %dma_wait3A_23 = arith.constant 0 : i32
        %dma_wait3A_24 = tpu.memref_slice %arg8[%dma_wait3A_22, %dma_wait3A_23] : memref<10008x128xf32, #tpu.memory_space<vmem_shared>> -> memref<10008x128xf32, #tpu.memory_space<vmem_shared>>
        tpu.wait_indirect_dma semaphore(%run_scoped3A : memref<!tpu.dma_semaphore, #tpu.memory_space<semaphore_mem>>) src(%arg7 : memref<128x128xf32, #tpu.memory_space<vmem>>) dst(%dma_wait3A_24 : memref<10008x128xf32, #tpu.memory_space<vmem_shared>>)
        tpu.yield
      }) : () -> ()
    }
    %scan3A_6 = arith.constant 79 : i32
    %barrier3A_7 = arith.constant 0 : index
    tpu.barrier barrier_id(%barrier3A_7)
    %mul3A_8 = arith.constant 625 : i32
    %mul3A_9 = arith.muli %arg1, %mul3A_8 : i32
    "tpu.region"() ({
      %run_scoped3A = tpu.sem_alloc : memref<!tpu.dma_semaphore, #tpu.memory_space<semaphore_mem>>
      %dma_start3A = arith.constant 0 : i32
      %dma_start3A_10 = arith.constant 0 : i32
      %dma_start3A_11 = tpu.memref_slice %arg5[%arg0, %arg1, %dma_start3A, %dma_start3A_10] : memref<2x16x625x128xf32, #tpu.memory_space<hbm>> -> memref<1x1x625x128xf32, #tpu.memory_space<hbm>>
      %dma_start3A_12 = tpu.memref_squeeze %dma_start3A_11 : memref<1x1x625x128xf32, #tpu.memory_space<hbm>> -> memref<625x128xf32, #tpu.memory_space<hbm>>
      %dma_start3A_13 = arith.constant 0 : i32
      %dma_start3A_14 = tpu.memref_slice %arg8[%mul3A_9, %dma_start3A_13] : memref<10008x128xf32, #tpu.memory_space<vmem_shared>> -> memref<625x128xf32, #tpu.memory_space<vmem_shared>>
      tpu.enqueue_dma source(%dma_start3A_14 : memref<625x128xf32, #tpu.memory_space<vmem_shared>>) target(%dma_start3A_12 : memref<625x128xf32, #tpu.memory_space<hbm>>) target_semaphore(%run_scoped3A : memref<!tpu.dma_semaphore, #tpu.memory_space<semaphore_mem>>)
      %dma_wait3A = arith.constant 0 : i32
      %dma_wait3A_15 = arith.constant 0 : i32
      %dma_wait3A_16 = tpu.memref_slice %arg5[%arg0, %arg1, %dma_wait3A, %dma_wait3A_15] : memref<2x16x625x128xf32, #tpu.memory_space<hbm>> -> memref<1x1x625x128xf32, #tpu.memory_space<hbm>>
      %dma_wait3A_17 = tpu.memref_squeeze %dma_wait3A_16 : memref<1x1x625x128xf32, #tpu.memory_space<hbm>> -> memref<625x128xf32, #tpu.memory_space<hbm>>
      %dma_wait3A_18 = arith.constant 0 : i32
      %dma_wait3A_19 = tpu.memref_slice %arg8[%mul3A_9, %dma_wait3A_18] : memref<10008x128xf32, #tpu.memory_space<vmem_shared>> -> memref<625x128xf32, #tpu.memory_space<vmem_shared>>
      tpu.wait_dma2 semaphore(%run_scoped3A : memref<!tpu.dma_semaphore, #tpu.memory_space<semaphore_mem>>) src(%dma_wait3A_19 : memref<625x128xf32, #tpu.memory_space<vmem_shared>>) dst(%dma_wait3A_17 : memref<625x128xf32, #tpu.memory_space<hbm>>)
      tpu.yield
    }) : () -> ()
    return
  }
}

#map = affine_map<(d0, d1) -> (0, 0)>
#map1 = affine_map<(d0, d1) -> (0, 0, 0)>
#map2 = affine_map<(d0, d1) -> (0, 0, 0, 0)>
module attributes {stable_mosaic.version = 14 : i64} {
  func.func @edge_kernel(%arg0: i32, %arg1: i32, %arg2: memref<10000x128xf32, #tpu.memory_space<hbm>>, %arg3: memref<32x79x128xi32, #tpu.memory_space<hbm>>, %arg4: memref<32x79x128xi32, #tpu.memory_space<hbm>>, %arg5: memref<625x128xf32, #tpu.memory_space<hbm>>, %arg6: memref<2x16x625x128xf32, #tpu.memory_space<hbm>>, %arg7: memref<79x128xi32, #tpu.memory_space<vmem>>, %arg8: memref<79x128xi32, #tpu.memory_space<vmem>>, %arg9: memref<128x128xf32, #tpu.memory_space<vmem>>, %arg10: memref<10008x128xf32, #tpu.memory_space<vmem_shared>>, %arg11: memref<!tpu.dma_semaphore, #tpu.memory_space<semaphore_mem>>) attributes {dimension_semantics = [#tpu.dimension_semantics<core_parallel>, #tpu.dimension_semantics<subcore_parallel>], iteration_bounds = array<i64: 2, 16>, scalar_prefetch = 0 : i64, scratch_operands = 5 : i64, tpu.core_type = #tpu.core_type<sc_vector_subcore>, window_params = [{transform_indices = #map}, {transform_indices = #map1}, {transform_indices = #map1}, {transform_indices = #map}, {transform_indices = #map2}]} {
    %mul3A = arith.constant 16 : i32
    %mul3A_0 = arith.muli %arg0, %mul3A : i32
    %add3A = arith.addi %mul3A_0, %arg1 : i32
    %mul3A_1 = arith.constant 625 : i32
    %mul3A_2 = arith.muli %arg1, %mul3A_1 : i32
    "tpu.region"() ({
      %run_scoped3A = tpu.sem_alloc : memref<!tpu.dma_semaphore, #tpu.memory_space<semaphore_mem>>
      %dma_start3A = arith.constant 0 : i32
      %dma_start3A_10 = tpu.memref_slice %arg10[%mul3A_2, %dma_start3A] : memref<10008x128xf32, #tpu.memory_space<vmem_shared>> -> memref<625x128xf32, #tpu.memory_space<vmem_shared>>
      tpu.enqueue_dma source(%arg5 : memref<625x128xf32, #tpu.memory_space<hbm>>) target(%dma_start3A_10 : memref<625x128xf32, #tpu.memory_space<vmem_shared>>) target_semaphore(%run_scoped3A : memref<!tpu.dma_semaphore, #tpu.memory_space<semaphore_mem>>)
      %dma_wait3A = arith.constant 0 : i32
      %dma_wait3A_11 = tpu.memref_slice %arg10[%mul3A_2, %dma_wait3A] : memref<10008x128xf32, #tpu.memory_space<vmem_shared>> -> memref<625x128xf32, #tpu.memory_space<vmem_shared>>
      tpu.wait_dma2 semaphore(%run_scoped3A : memref<!tpu.dma_semaphore, #tpu.memory_space<semaphore_mem>>) src(%arg5 : memref<625x128xf32, #tpu.memory_space<hbm>>) dst(%dma_wait3A_11 : memref<625x128xf32, #tpu.memory_space<vmem_shared>>)
      tpu.yield
    }) : () -> ()
    "tpu.region"() ({
      %run_scoped3A = tpu.sem_alloc : memref<!tpu.dma_semaphore, #tpu.memory_space<semaphore_mem>>
      %dma_start3A = arith.constant 0 : i32
      %dma_start3A_10 = arith.constant 0 : i32
      %dma_start3A_11 = tpu.memref_slice %arg3[%add3A, %dma_start3A, %dma_start3A_10] : memref<32x79x128xi32, #tpu.memory_space<hbm>> -> memref<1x79x128xi32, #tpu.memory_space<hbm>>
      %dma_start3A_12 = tpu.memref_squeeze %dma_start3A_11 : memref<1x79x128xi32, #tpu.memory_space<hbm>> -> memref<79x128xi32, #tpu.memory_space<hbm>>
      %dma_start3A_13 = arith.constant 0 : i32
      %dma_start3A_14 = arith.constant 0 : i32
      %dma_start3A_15 = tpu.memref_slice %arg3[%add3A, %dma_start3A_13, %dma_start3A_14] : memref<32x79x128xi32, #tpu.memory_space<hbm>> -> memref<1x79x128xi32, #tpu.memory_space<hbm>>
      %dma_start3A_16 = tpu.memref_squeeze %dma_start3A_15 : memref<1x79x128xi32, #tpu.memory_space<hbm>> -> memref<79x128xi32, #tpu.memory_space<hbm>>
      tpu.enqueue_dma source(%dma_start3A_16 : memref<79x128xi32, #tpu.memory_space<hbm>>) target(%arg7 : memref<79x128xi32, #tpu.memory_space<vmem>>) target_semaphore(%run_scoped3A : memref<!tpu.dma_semaphore, #tpu.memory_space<semaphore_mem>>)
      %dma_wait3A = arith.constant 0 : i32
      %dma_wait3A_17 = arith.constant 0 : i32
      %dma_wait3A_18 = tpu.memref_slice %arg3[%add3A, %dma_wait3A, %dma_wait3A_17] : memref<32x79x128xi32, #tpu.memory_space<hbm>> -> memref<1x79x128xi32, #tpu.memory_space<hbm>>
      %dma_wait3A_19 = tpu.memref_squeeze %dma_wait3A_18 : memref<1x79x128xi32, #tpu.memory_space<hbm>> -> memref<79x128xi32, #tpu.memory_space<hbm>>
      %dma_wait3A_20 = arith.constant 0 : i32
      %dma_wait3A_21 = arith.constant 0 : i32
      %dma_wait3A_22 = tpu.memref_slice %arg3[%add3A, %dma_wait3A_20, %dma_wait3A_21] : memref<32x79x128xi32, #tpu.memory_space<hbm>> -> memref<1x79x128xi32, #tpu.memory_space<hbm>>
      %dma_wait3A_23 = tpu.memref_squeeze %dma_wait3A_22 : memref<1x79x128xi32, #tpu.memory_space<hbm>> -> memref<79x128xi32, #tpu.memory_space<hbm>>
      tpu.wait_dma2 semaphore(%run_scoped3A : memref<!tpu.dma_semaphore, #tpu.memory_space<semaphore_mem>>) src(%dma_wait3A_23 : memref<79x128xi32, #tpu.memory_space<hbm>>) dst(%arg7 : memref<79x128xi32, #tpu.memory_space<vmem>>)
      tpu.yield
    }) : () -> ()
    "tpu.region"() ({
      %run_scoped3A = tpu.sem_alloc : memref<!tpu.dma_semaphore, #tpu.memory_space<semaphore_mem>>
      %dma_start3A = arith.constant 0 : i32
      %dma_start3A_10 = arith.constant 0 : i32
      %dma_start3A_11 = tpu.memref_slice %arg4[%add3A, %dma_start3A, %dma_start3A_10] : memref<32x79x128xi32, #tpu.memory_space<hbm>> -> memref<1x79x128xi32, #tpu.memory_space<hbm>>
      %dma_start3A_12 = tpu.memref_squeeze %dma_start3A_11 : memref<1x79x128xi32, #tpu.memory_space<hbm>> -> memref<79x128xi32, #tpu.memory_space<hbm>>
      %dma_start3A_13 = arith.constant 0 : i32
      %dma_start3A_14 = arith.constant 0 : i32
      %dma_start3A_15 = tpu.memref_slice %arg4[%add3A, %dma_start3A_13, %dma_start3A_14] : memref<32x79x128xi32, #tpu.memory_space<hbm>> -> memref<1x79x128xi32, #tpu.memory_space<hbm>>
      %dma_start3A_16 = tpu.memref_squeeze %dma_start3A_15 : memref<1x79x128xi32, #tpu.memory_space<hbm>> -> memref<79x128xi32, #tpu.memory_space<hbm>>
      tpu.enqueue_dma source(%dma_start3A_16 : memref<79x128xi32, #tpu.memory_space<hbm>>) target(%arg8 : memref<79x128xi32, #tpu.memory_space<vmem>>) target_semaphore(%run_scoped3A : memref<!tpu.dma_semaphore, #tpu.memory_space<semaphore_mem>>)
      %dma_wait3A = arith.constant 0 : i32
      %dma_wait3A_17 = arith.constant 0 : i32
      %dma_wait3A_18 = tpu.memref_slice %arg4[%add3A, %dma_wait3A, %dma_wait3A_17] : memref<32x79x128xi32, #tpu.memory_space<hbm>> -> memref<1x79x128xi32, #tpu.memory_space<hbm>>
      %dma_wait3A_19 = tpu.memref_squeeze %dma_wait3A_18 : memref<1x79x128xi32, #tpu.memory_space<hbm>> -> memref<79x128xi32, #tpu.memory_space<hbm>>
      %dma_wait3A_20 = arith.constant 0 : i32
      %dma_wait3A_21 = arith.constant 0 : i32
      %dma_wait3A_22 = tpu.memref_slice %arg4[%add3A, %dma_wait3A_20, %dma_wait3A_21] : memref<32x79x128xi32, #tpu.memory_space<hbm>> -> memref<1x79x128xi32, #tpu.memory_space<hbm>>
      %dma_wait3A_23 = tpu.memref_squeeze %dma_wait3A_22 : memref<1x79x128xi32, #tpu.memory_space<hbm>> -> memref<79x128xi32, #tpu.memory_space<hbm>>
      tpu.wait_dma2 semaphore(%run_scoped3A : memref<!tpu.dma_semaphore, #tpu.memory_space<semaphore_mem>>) src(%dma_wait3A_23 : memref<79x128xi32, #tpu.memory_space<hbm>>) dst(%arg8 : memref<79x128xi32, #tpu.memory_space<vmem>>)
      tpu.yield
    }) : () -> ()
    %barrier3A = arith.constant 0 : index
    tpu.barrier barrier_id(%barrier3A)
    %scan3A = arith.constant 0 : i32
    %scan3A_3 = arith.constant 79 : i32
    %scan3A_4 = arith.addi %scan3A, %scan3A_3 : i32
    %scan3A_5 = arith.constant 1 : i32
    scf.for %scan3A_10 = %scan3A to %scan3A_4 step %scan3A_5  : i32 {
      %mul3A_11 = arith.constant 1 : i32
      %mul3A_12 = arith.muli %scan3A_10, %mul3A_11 : i32
      %add3A_13 = arith.constant 0 : i32
      %add3A_14 = arith.addi %add3A_13, %mul3A_12 : i32
      %dma_start3A = arith.constant 0 : i32
      %dma_start3A_15 = tpu.memref_slice %arg7[%add3A_14, %dma_start3A] : memref<79x128xi32, #tpu.memory_space<vmem>> -> memref<1x128xi32, #tpu.memory_space<vmem>>
      %dma_start3A_16 = tpu.memref_squeeze %dma_start3A_15 : memref<1x128xi32, #tpu.memory_space<vmem>> -> memref<128xi32, #tpu.memory_space<vmem>>
      %dma_start3A_17 = arith.constant 0 : i32
      %dma_start3A_18 = arith.constant 0 : i32
      %dma_start3A_19 = tpu.memref_slice %arg2[%dma_start3A_17, %dma_start3A_18] : memref<10000x128xf32, #tpu.memory_space<hbm>> -> memref<10000x128xf32, #tpu.memory_space<hbm>>
      tpu.enqueue_indirect_dma source(%dma_start3A_19 : memref<10000x128xf32, #tpu.memory_space<hbm>>) target(%arg9 : memref<128x128xf32, #tpu.memory_space<vmem>>) offsets(%dma_start3A_16 : memref<128xi32, #tpu.memory_space<vmem>>) semaphore(%arg11 : memref<!tpu.dma_semaphore, #tpu.memory_space<semaphore_mem>>)
      %dma_wait3A = arith.constant 0 : i32
      %dma_wait3A_20 = tpu.memref_slice %arg7[%add3A_14, %dma_wait3A] : memref<79x128xi32, #tpu.memory_space<vmem>> -> memref<1x128xi32, #tpu.memory_space<vmem>>
      %dma_wait3A_21 = tpu.memref_squeeze %dma_wait3A_20 : memref<1x128xi32, #tpu.memory_space<vmem>> -> memref<128xi32, #tpu.memory_space<vmem>>
      %dma_wait3A_22 = arith.constant 0 : i32
      %dma_wait3A_23 = arith.constant 0 : i32
      %dma_wait3A_24 = tpu.memref_slice %arg2[%dma_wait3A_22, %dma_wait3A_23] : memref<10000x128xf32, #tpu.memory_space<hbm>> -> memref<10000x128xf32, #tpu.memory_space<hbm>>
      tpu.wait_indirect_dma semaphore(%arg11 : memref<!tpu.dma_semaphore, #tpu.memory_space<semaphore_mem>>) src(%dma_wait3A_24 : memref<10000x128xf32, #tpu.memory_space<hbm>>) dst(%arg9 : memref<128x128xf32, #tpu.memory_space<vmem>>)
      "tpu.region"() ({
        %run_scoped3A = tpu.sem_alloc : memref<!tpu.dma_semaphore, #tpu.memory_space<semaphore_mem>>
        %dma_start3A_25 = arith.constant 0 : i32
        %dma_start3A_26 = tpu.memref_slice %arg8[%add3A_14, %dma_start3A_25] : memref<79x128xi32, #tpu.memory_space<vmem>> -> memref<1x128xi32, #tpu.memory_space<vmem>>
        %dma_start3A_27 = tpu.memref_squeeze %dma_start3A_26 : memref<1x128xi32, #tpu.memory_space<vmem>> -> memref<128xi32, #tpu.memory_space<vmem>>
        %dma_start3A_28 = arith.constant 0 : i32
        %dma_start3A_29 = arith.constant 0 : i32
        %dma_start3A_30 = tpu.memref_slice %arg10[%dma_start3A_28, %dma_start3A_29] : memref<10008x128xf32, #tpu.memory_space<vmem_shared>> -> memref<10008x128xf32, #tpu.memory_space<vmem_shared>>
        tpu.enqueue_indirect_dma source(%arg9 : memref<128x128xf32, #tpu.memory_space<vmem>>) target(%dma_start3A_30 : memref<10008x128xf32, #tpu.memory_space<vmem_shared>>) offsets(%dma_start3A_27 : memref<128xi32, #tpu.memory_space<vmem>>) semaphore(%run_scoped3A : memref<!tpu.dma_semaphore, #tpu.memory_space<semaphore_mem>>) {add = true}
        %dma_wait3A_31 = arith.constant 0 : i32
        %dma_wait3A_32 = tpu.memref_slice %arg8[%add3A_14, %dma_wait3A_31] : memref<79x128xi32, #tpu.memory_space<vmem>> -> memref<1x128xi32, #tpu.memory_space<vmem>>
        %dma_wait3A_33 = tpu.memref_squeeze %dma_wait3A_32 : memref<1x128xi32, #tpu.memory_space<vmem>> -> memref<128xi32, #tpu.memory_space<vmem>>
        %dma_wait3A_34 = arith.constant 0 : i32
        %dma_wait3A_35 = arith.constant 0 : i32
        %dma_wait3A_36 = tpu.memref_slice %arg10[%dma_wait3A_34, %dma_wait3A_35] : memref<10008x128xf32, #tpu.memory_space<vmem_shared>> -> memref<10008x128xf32, #tpu.memory_space<vmem_shared>>
        tpu.wait_indirect_dma semaphore(%run_scoped3A : memref<!tpu.dma_semaphore, #tpu.memory_space<semaphore_mem>>) src(%arg9 : memref<128x128xf32, #tpu.memory_space<vmem>>) dst(%dma_wait3A_36 : memref<10008x128xf32, #tpu.memory_space<vmem_shared>>)
        tpu.yield
      }) : () -> ()
    }
    %scan3A_6 = arith.constant 79 : i32
    %barrier3A_7 = arith.constant 0 : index
    tpu.barrier barrier_id(%barrier3A_7)
    %mul3A_8 = arith.constant 625 : i32
    %mul3A_9 = arith.muli %arg1, %mul3A_8 : i32
    "tpu.region"() ({
      %run_scoped3A = tpu.sem_alloc : memref<!tpu.dma_semaphore, #tpu.memory_space<semaphore_mem>>
      %dma_start3A = arith.constant 0 : i32
      %dma_start3A_10 = arith.constant 0 : i32
      %dma_start3A_11 = tpu.memref_slice %arg6[%arg0, %arg1, %dma_start3A, %dma_start3A_10] : memref<2x16x625x128xf32, #tpu.memory_space<hbm>> -> memref<1x1x625x128xf32, #tpu.memory_space<hbm>>
      %dma_start3A_12 = tpu.memref_squeeze %dma_start3A_11 : memref<1x1x625x128xf32, #tpu.memory_space<hbm>> -> memref<625x128xf32, #tpu.memory_space<hbm>>
      %dma_start3A_13 = arith.constant 0 : i32
      %dma_start3A_14 = tpu.memref_slice %arg10[%mul3A_9, %dma_start3A_13] : memref<10008x128xf32, #tpu.memory_space<vmem_shared>> -> memref<625x128xf32, #tpu.memory_space<vmem_shared>>
      tpu.enqueue_dma source(%dma_start3A_14 : memref<625x128xf32, #tpu.memory_space<vmem_shared>>) target(%dma_start3A_12 : memref<625x128xf32, #tpu.memory_space<hbm>>) target_semaphore(%run_scoped3A : memref<!tpu.dma_semaphore, #tpu.memory_space<semaphore_mem>>)
      %dma_wait3A = arith.constant 0 : i32
      %dma_wait3A_15 = arith.constant 0 : i32
      %dma_wait3A_16 = tpu.memref_slice %arg6[%arg0, %arg1, %dma_wait3A, %dma_wait3A_15] : memref<2x16x625x128xf32, #tpu.memory_space<hbm>> -> memref<1x1x625x128xf32, #tpu.memory_space<hbm>>
      %dma_wait3A_17 = tpu.memref_squeeze %dma_wait3A_16 : memref<1x1x625x128xf32, #tpu.memory_space<hbm>> -> memref<625x128xf32, #tpu.memory_space<hbm>>
      %dma_wait3A_18 = arith.constant 0 : i32
      %dma_wait3A_19 = tpu.memref_slice %arg10[%mul3A_9, %dma_wait3A_18] : memref<10008x128xf32, #tpu.memory_space<vmem_shared>> -> memref<625x128xf32, #tpu.memory_space<vmem_shared>>
      tpu.wait_dma2 semaphore(%run_scoped3A : memref<!tpu.dma_semaphore, #tpu.memory_space<semaphore_mem>>) src(%dma_wait3A_19 : memref<625x128xf32, #tpu.memory_space<vmem_shared>>) dst(%dma_wait3A_17 : memref<625x128xf32, #tpu.memory_space<hbm>>)
      tpu.yield
    }) : () -> ()
    return
  }
}

#map = affine_map<(d0, d1) -> (0, 0)>
#map1 = affine_map<(d0, d1) -> (0, 0, 0)>
#map2 = affine_map<(d0, d1) -> (0, 0, 0, 0)>
module attributes {stable_mosaic.version = 14 : i64} {
  func.func @edge_kernel(%arg0: i32, %arg1: i32, %arg2: memref<10000x128xf32, #tpu.memory_space<hbm>>, %arg3: memref<32x79x128xi32, #tpu.memory_space<hbm>>, %arg4: memref<32x79x128xi32, #tpu.memory_space<hbm>>, %arg5: memref<625x128xf32, #tpu.memory_space<hbm>>, %arg6: memref<2x16x625x128xf32, #tpu.memory_space<hbm>>, %arg7: memref<79x128xi32, #tpu.memory_space<vmem>>, %arg8: memref<79x128xi32, #tpu.memory_space<vmem>>, %arg9: memref<128x128xf32, #tpu.memory_space<vmem>>, %arg10: memref<10008x128xf32, #tpu.memory_space<vmem_shared>>, %arg11: memref<!tpu.dma_semaphore, #tpu.memory_space<semaphore_mem>>) attributes {dimension_semantics = [#tpu.dimension_semantics<core_parallel>, #tpu.dimension_semantics<subcore_parallel>], iteration_bounds = array<i64: 2, 16>, scalar_prefetch = 0 : i64, scratch_operands = 5 : i64, tpu.core_type = #tpu.core_type<sc_vector_subcore>, window_params = [{transform_indices = #map}, {transform_indices = #map1}, {transform_indices = #map1}, {transform_indices = #map}, {transform_indices = #map2}]} {
    %mul3A = arith.constant 16 : i32
    %mul3A_0 = arith.muli %arg0, %mul3A : i32
    %add3A = arith.addi %mul3A_0, %arg1 : i32
    %mul3A_1 = arith.constant 625 : i32
    %mul3A_2 = arith.muli %arg1, %mul3A_1 : i32
    "tpu.region"() ({
      %run_scoped3A = tpu.sem_alloc : memref<!tpu.dma_semaphore, #tpu.memory_space<semaphore_mem>>
      %dma_start3A = arith.constant 0 : i32
      %dma_start3A_10 = tpu.memref_slice %arg10[%mul3A_2, %dma_start3A] : memref<10008x128xf32, #tpu.memory_space<vmem_shared>> -> memref<625x128xf32, #tpu.memory_space<vmem_shared>>
      tpu.enqueue_dma source(%arg5 : memref<625x128xf32, #tpu.memory_space<hbm>>) target(%dma_start3A_10 : memref<625x128xf32, #tpu.memory_space<vmem_shared>>) target_semaphore(%run_scoped3A : memref<!tpu.dma_semaphore, #tpu.memory_space<semaphore_mem>>)
      %dma_wait3A = arith.constant 0 : i32
      %dma_wait3A_11 = tpu.memref_slice %arg10[%mul3A_2, %dma_wait3A] : memref<10008x128xf32, #tpu.memory_space<vmem_shared>> -> memref<625x128xf32, #tpu.memory_space<vmem_shared>>
      tpu.wait_dma2 semaphore(%run_scoped3A : memref<!tpu.dma_semaphore, #tpu.memory_space<semaphore_mem>>) src(%arg5 : memref<625x128xf32, #tpu.memory_space<hbm>>) dst(%dma_wait3A_11 : memref<625x128xf32, #tpu.memory_space<vmem_shared>>)
      tpu.yield
    }) : () -> ()
    "tpu.region"() ({
      %run_scoped3A = tpu.sem_alloc : memref<!tpu.dma_semaphore, #tpu.memory_space<semaphore_mem>>
      %dma_start3A = arith.constant 0 : i32
      %dma_start3A_10 = arith.constant 0 : i32
      %dma_start3A_11 = tpu.memref_slice %arg3[%add3A, %dma_start3A, %dma_start3A_10] : memref<32x79x128xi32, #tpu.memory_space<hbm>> -> memref<1x79x128xi32, #tpu.memory_space<hbm>>
      %dma_start3A_12 = tpu.memref_squeeze %dma_start3A_11 : memref<1x79x128xi32, #tpu.memory_space<hbm>> -> memref<79x128xi32, #tpu.memory_space<hbm>>
      %dma_start3A_13 = arith.constant 0 : i32
      %dma_start3A_14 = arith.constant 0 : i32
      %dma_start3A_15 = tpu.memref_slice %arg3[%add3A, %dma_start3A_13, %dma_start3A_14] : memref<32x79x128xi32, #tpu.memory_space<hbm>> -> memref<1x79x128xi32, #tpu.memory_space<hbm>>
      %dma_start3A_16 = tpu.memref_squeeze %dma_start3A_15 : memref<1x79x128xi32, #tpu.memory_space<hbm>> -> memref<79x128xi32, #tpu.memory_space<hbm>>
      tpu.enqueue_dma source(%dma_start3A_16 : memref<79x128xi32, #tpu.memory_space<hbm>>) target(%arg7 : memref<79x128xi32, #tpu.memory_space<vmem>>) target_semaphore(%run_scoped3A : memref<!tpu.dma_semaphore, #tpu.memory_space<semaphore_mem>>)
      %dma_wait3A = arith.constant 0 : i32
      %dma_wait3A_17 = arith.constant 0 : i32
      %dma_wait3A_18 = tpu.memref_slice %arg3[%add3A, %dma_wait3A, %dma_wait3A_17] : memref<32x79x128xi32, #tpu.memory_space<hbm>> -> memref<1x79x128xi32, #tpu.memory_space<hbm>>
      %dma_wait3A_19 = tpu.memref_squeeze %dma_wait3A_18 : memref<1x79x128xi32, #tpu.memory_space<hbm>> -> memref<79x128xi32, #tpu.memory_space<hbm>>
      %dma_wait3A_20 = arith.constant 0 : i32
      %dma_wait3A_21 = arith.constant 0 : i32
      %dma_wait3A_22 = tpu.memref_slice %arg3[%add3A, %dma_wait3A_20, %dma_wait3A_21] : memref<32x79x128xi32, #tpu.memory_space<hbm>> -> memref<1x79x128xi32, #tpu.memory_space<hbm>>
      %dma_wait3A_23 = tpu.memref_squeeze %dma_wait3A_22 : memref<1x79x128xi32, #tpu.memory_space<hbm>> -> memref<79x128xi32, #tpu.memory_space<hbm>>
      tpu.wait_dma2 semaphore(%run_scoped3A : memref<!tpu.dma_semaphore, #tpu.memory_space<semaphore_mem>>) src(%dma_wait3A_23 : memref<79x128xi32, #tpu.memory_space<hbm>>) dst(%arg7 : memref<79x128xi32, #tpu.memory_space<vmem>>)
      tpu.yield
    }) : () -> ()
    "tpu.region"() ({
      %run_scoped3A = tpu.sem_alloc : memref<!tpu.dma_semaphore, #tpu.memory_space<semaphore_mem>>
      %dma_start3A = arith.constant 0 : i32
      %dma_start3A_10 = arith.constant 0 : i32
      %dma_start3A_11 = tpu.memref_slice %arg4[%add3A, %dma_start3A, %dma_start3A_10] : memref<32x79x128xi32, #tpu.memory_space<hbm>> -> memref<1x79x128xi32, #tpu.memory_space<hbm>>
      %dma_start3A_12 = tpu.memref_squeeze %dma_start3A_11 : memref<1x79x128xi32, #tpu.memory_space<hbm>> -> memref<79x128xi32, #tpu.memory_space<hbm>>
      %dma_start3A_13 = arith.constant 0 : i32
      %dma_start3A_14 = arith.constant 0 : i32
      %dma_start3A_15 = tpu.memref_slice %arg4[%add3A, %dma_start3A_13, %dma_start3A_14] : memref<32x79x128xi32, #tpu.memory_space<hbm>> -> memref<1x79x128xi32, #tpu.memory_space<hbm>>
      %dma_start3A_16 = tpu.memref_squeeze %dma_start3A_15 : memref<1x79x128xi32, #tpu.memory_space<hbm>> -> memref<79x128xi32, #tpu.memory_space<hbm>>
      tpu.enqueue_dma source(%dma_start3A_16 : memref<79x128xi32, #tpu.memory_space<hbm>>) target(%arg8 : memref<79x128xi32, #tpu.memory_space<vmem>>) target_semaphore(%run_scoped3A : memref<!tpu.dma_semaphore, #tpu.memory_space<semaphore_mem>>)
      %dma_wait3A = arith.constant 0 : i32
      %dma_wait3A_17 = arith.constant 0 : i32
      %dma_wait3A_18 = tpu.memref_slice %arg4[%add3A, %dma_wait3A, %dma_wait3A_17] : memref<32x79x128xi32, #tpu.memory_space<hbm>> -> memref<1x79x128xi32, #tpu.memory_space<hbm>>
      %dma_wait3A_19 = tpu.memref_squeeze %dma_wait3A_18 : memref<1x79x128xi32, #tpu.memory_space<hbm>> -> memref<79x128xi32, #tpu.memory_space<hbm>>
      %dma_wait3A_20 = arith.constant 0 : i32
      %dma_wait3A_21 = arith.constant 0 : i32
      %dma_wait3A_22 = tpu.memref_slice %arg4[%add3A, %dma_wait3A_20, %dma_wait3A_21] : memref<32x79x128xi32, #tpu.memory_space<hbm>> -> memref<1x79x128xi32, #tpu.memory_space<hbm>>
      %dma_wait3A_23 = tpu.memref_squeeze %dma_wait3A_22 : memref<1x79x128xi32, #tpu.memory_space<hbm>> -> memref<79x128xi32, #tpu.memory_space<hbm>>
      tpu.wait_dma2 semaphore(%run_scoped3A : memref<!tpu.dma_semaphore, #tpu.memory_space<semaphore_mem>>) src(%dma_wait3A_23 : memref<79x128xi32, #tpu.memory_space<hbm>>) dst(%arg8 : memref<79x128xi32, #tpu.memory_space<vmem>>)
      tpu.yield
    }) : () -> ()
    %barrier3A = arith.constant 0 : index
    tpu.barrier barrier_id(%barrier3A)
    %scan3A = arith.constant 0 : i32
    %scan3A_3 = arith.constant 79 : i32
    %scan3A_4 = arith.addi %scan3A, %scan3A_3 : i32
    %scan3A_5 = arith.constant 1 : i32
    scf.for %scan3A_10 = %scan3A to %scan3A_4 step %scan3A_5  : i32 {
      %mul3A_11 = arith.constant 1 : i32
      %mul3A_12 = arith.muli %scan3A_10, %mul3A_11 : i32
      %add3A_13 = arith.constant 0 : i32
      %add3A_14 = arith.addi %add3A_13, %mul3A_12 : i32
      %dma_start3A = arith.constant 0 : i32
      %dma_start3A_15 = tpu.memref_slice %arg7[%add3A_14, %dma_start3A] : memref<79x128xi32, #tpu.memory_space<vmem>> -> memref<1x128xi32, #tpu.memory_space<vmem>>
      %dma_start3A_16 = tpu.memref_squeeze %dma_start3A_15 : memref<1x128xi32, #tpu.memory_space<vmem>> -> memref<128xi32, #tpu.memory_space<vmem>>
      %dma_start3A_17 = arith.constant 0 : i32
      %dma_start3A_18 = arith.constant 0 : i32
      %dma_start3A_19 = tpu.memref_slice %arg2[%dma_start3A_17, %dma_start3A_18] : memref<10000x128xf32, #tpu.memory_space<hbm>> -> memref<10000x128xf32, #tpu.memory_space<hbm>>
      tpu.enqueue_indirect_dma source(%dma_start3A_19 : memref<10000x128xf32, #tpu.memory_space<hbm>>) target(%arg9 : memref<128x128xf32, #tpu.memory_space<vmem>>) offsets(%dma_start3A_16 : memref<128xi32, #tpu.memory_space<vmem>>) semaphore(%arg11 : memref<!tpu.dma_semaphore, #tpu.memory_space<semaphore_mem>>)
      %dma_wait3A = arith.constant 0 : i32
      %dma_wait3A_20 = tpu.memref_slice %arg7[%add3A_14, %dma_wait3A] : memref<79x128xi32, #tpu.memory_space<vmem>> -> memref<1x128xi32, #tpu.memory_space<vmem>>
      %dma_wait3A_21 = tpu.memref_squeeze %dma_wait3A_20 : memref<1x128xi32, #tpu.memory_space<vmem>> -> memref<128xi32, #tpu.memory_space<vmem>>
      %dma_wait3A_22 = arith.constant 0 : i32
      %dma_wait3A_23 = arith.constant 0 : i32
      %dma_wait3A_24 = tpu.memref_slice %arg2[%dma_wait3A_22, %dma_wait3A_23] : memref<10000x128xf32, #tpu.memory_space<hbm>> -> memref<10000x128xf32, #tpu.memory_space<hbm>>
      tpu.wait_indirect_dma semaphore(%arg11 : memref<!tpu.dma_semaphore, #tpu.memory_space<semaphore_mem>>) src(%dma_wait3A_24 : memref<10000x128xf32, #tpu.memory_space<hbm>>) dst(%arg9 : memref<128x128xf32, #tpu.memory_space<vmem>>)
      "tpu.region"() ({
        %run_scoped3A = tpu.sem_alloc : memref<!tpu.dma_semaphore, #tpu.memory_space<semaphore_mem>>
        %dma_start3A_25 = arith.constant 0 : i32
        %dma_start3A_26 = tpu.memref_slice %arg8[%add3A_14, %dma_start3A_25] : memref<79x128xi32, #tpu.memory_space<vmem>> -> memref<1x128xi32, #tpu.memory_space<vmem>>
        %dma_start3A_27 = tpu.memref_squeeze %dma_start3A_26 : memref<1x128xi32, #tpu.memory_space<vmem>> -> memref<128xi32, #tpu.memory_space<vmem>>
        %dma_start3A_28 = arith.constant 0 : i32
        %dma_start3A_29 = arith.constant 0 : i32
        %dma_start3A_30 = tpu.memref_slice %arg10[%dma_start3A_28, %dma_start3A_29] : memref<10008x128xf32, #tpu.memory_space<vmem_shared>> -> memref<10008x128xf32, #tpu.memory_space<vmem_shared>>
        tpu.enqueue_indirect_dma source(%arg9 : memref<128x128xf32, #tpu.memory_space<vmem>>) target(%dma_start3A_30 : memref<10008x128xf32, #tpu.memory_space<vmem_shared>>) offsets(%dma_start3A_27 : memref<128xi32, #tpu.memory_space<vmem>>) semaphore(%run_scoped3A : memref<!tpu.dma_semaphore, #tpu.memory_space<semaphore_mem>>) {add = true}
        %dma_wait3A_31 = arith.constant 0 : i32
        %dma_wait3A_32 = tpu.memref_slice %arg8[%add3A_14, %dma_wait3A_31] : memref<79x128xi32, #tpu.memory_space<vmem>> -> memref<1x128xi32, #tpu.memory_space<vmem>>
        %dma_wait3A_33 = tpu.memref_squeeze %dma_wait3A_32 : memref<1x128xi32, #tpu.memory_space<vmem>> -> memref<128xi32, #tpu.memory_space<vmem>>
        %dma_wait3A_34 = arith.constant 0 : i32
        %dma_wait3A_35 = arith.constant 0 : i32
        %dma_wait3A_36 = tpu.memref_slice %arg10[%dma_wait3A_34, %dma_wait3A_35] : memref<10008x128xf32, #tpu.memory_space<vmem_shared>> -> memref<10008x128xf32, #tpu.memory_space<vmem_shared>>
        tpu.wait_indirect_dma semaphore(%run_scoped3A : memref<!tpu.dma_semaphore, #tpu.memory_space<semaphore_mem>>) src(%arg9 : memref<128x128xf32, #tpu.memory_space<vmem>>) dst(%dma_wait3A_36 : memref<10008x128xf32, #tpu.memory_space<vmem_shared>>)
        tpu.yield
      }) : () -> ()
    }
    %scan3A_6 = arith.constant 79 : i32
    %barrier3A_7 = arith.constant 0 : index
    tpu.barrier barrier_id(%barrier3A_7)
    %mul3A_8 = arith.constant 625 : i32
    %mul3A_9 = arith.muli %arg1, %mul3A_8 : i32
    "tpu.region"() ({
      %run_scoped3A = tpu.sem_alloc : memref<!tpu.dma_semaphore, #tpu.memory_space<semaphore_mem>>
      %dma_start3A = arith.constant 0 : i32
      %dma_start3A_10 = arith.constant 0 : i32
      %dma_start3A_11 = tpu.memref_slice %arg6[%arg0, %arg1, %dma_start3A, %dma_start3A_10] : memref<2x16x625x128xf32, #tpu.memory_space<hbm>> -> memref<1x1x625x128xf32, #tpu.memory_space<hbm>>
      %dma_start3A_12 = tpu.memref_squeeze %dma_start3A_11 : memref<1x1x625x128xf32, #tpu.memory_space<hbm>> -> memref<625x128xf32, #tpu.memory_space<hbm>>
      %dma_start3A_13 = arith.constant 0 : i32
      %dma_start3A_14 = tpu.memref_slice %arg10[%mul3A_9, %dma_start3A_13] : memref<10008x128xf32, #tpu.memory_space<vmem_shared>> -> memref<625x128xf32, #tpu.memory_space<vmem_shared>>
      tpu.enqueue_dma source(%dma_start3A_14 : memref<625x128xf32, #tpu.memory_space<vmem_shared>>) target(%dma_start3A_12 : memref<625x128xf32, #tpu.memory_space<hbm>>) target_semaphore(%run_scoped3A : memref<!tpu.dma_semaphore, #tpu.memory_space<semaphore_mem>>)
      %dma_wait3A = arith.constant 0 : i32
      %dma_wait3A_15 = arith.constant 0 : i32
      %dma_wait3A_16 = tpu.memref_slice %arg6[%arg0, %arg1, %dma_wait3A, %dma_wait3A_15] : memref<2x16x625x128xf32, #tpu.memory_space<hbm>> -> memref<1x1x625x128xf32, #tpu.memory_space<hbm>>
      %dma_wait3A_17 = tpu.memref_squeeze %dma_wait3A_16 : memref<1x1x625x128xf32, #tpu.memory_space<hbm>> -> memref<625x128xf32, #tpu.memory_space<hbm>>
      %dma_wait3A_18 = arith.constant 0 : i32
      %dma_wait3A_19 = tpu.memref_slice %arg10[%mul3A_9, %dma_wait3A_18] : memref<10008x128xf32, #tpu.memory_space<vmem_shared>> -> memref<625x128xf32, #tpu.memory_space<vmem_shared>>
      tpu.wait_dma2 semaphore(%run_scoped3A : memref<!tpu.dma_semaphore, #tpu.memory_space<semaphore_mem>>) src(%dma_wait3A_19 : memref<625x128xf32, #tpu.memory_space<vmem_shared>>) dst(%dma_wait3A_17 : memref<625x128xf32, #tpu.memory_space<hbm>>)
      tpu.yield
    }) : () -> ()
    return
  }
}

module attributes {stable_mosaic.version = 14 : i64} {
  func.func @_t1_body(%arg0: i32, %arg1: memref<2x400x128xf32, #tpu.memory_space<vmem>>, %arg2: memref<400x128xf32, #tpu.memory_space<vmem>>, %arg3: memref<128x128xf32, #tpu.memory_space<vmem>>, %arg4: memref<1x128xf32, #tpu.memory_space<vmem>>, %arg5: memref<1x128xf32, #tpu.memory_space<vmem>>, %arg6: memref<1x1xf32, #tpu.memory_space<vmem>>, %arg7: memref<400x128xf32, #tpu.memory_space<vmem>>, %arg8: memref<400x128xf32, #tpu.memory_space<vmem>>, %arg9: memref<400x1xf32, #tpu.memory_space<vmem>>) attributes {dimension_semantics = [#tpu.dimension_semantics<arbitrary>], iteration_bounds = array<i64: 25>, scalar_prefetch = 0 : i64, scratch_operands = 0 : i64, tpu.core_type = #tpu.core_type<tc>, window_params = [{transform_indices = @transform_0, window_bounds = array<i64: 2, 400, 128>}, {transform_indices = @transform_1, window_bounds = array<i64: 400, 128>}, {pipeline_mode = #tpu.pipeline_mode<synchronous>, transform_indices = @transform_2, window_bounds = array<i64: 128, 128>}, {pipeline_mode = #tpu.pipeline_mode<synchronous>, transform_indices = @transform_3, window_bounds = array<i64: 1, 128>}, {pipeline_mode = #tpu.pipeline_mode<synchronous>, transform_indices = @transform_4, window_bounds = array<i64: 1, 128>}, {pipeline_mode = #tpu.pipeline_mode<synchronous>, transform_indices = @transform_5, window_bounds = array<i64: 1, 1>}, {transform_indices = @transform_6, window_bounds = array<i64: 400, 128>}, {transform_indices = @transform_7, window_bounds = array<i64: 400, 128>}, {transform_indices = @transform_8, window_bounds = array<i64: 400, 1>}]} {
    %get3A = arith.constant 0 : index
    %get3A_0 = arith.constant 0 : index
    %get3A_1 = arith.constant 0 : index
    %get3A_2 = vector.load %arg1[%get3A, %get3A_0, %get3A_1] : memref<2x400x128xf32, #tpu.memory_space<vmem>>, vector<2x400x128xf32>
    %slice3A = vector.extract_strided_slice %get3A_2 {offsets = [0, 0, 0], sizes = [1, 400, 128], strides = [1, 1, 1]} : vector<2x400x128xf32> to vector<1x400x128xf32>
    %squeeze3A = vector.shape_cast %slice3A : vector<1x400x128xf32> to vector<400x128xf32>
    %slice3A_3 = vector.extract_strided_slice %get3A_2 {offsets = [1, 0, 0], sizes = [1, 400, 128], strides = [1, 1, 1]} : vector<2x400x128xf32> to vector<1x400x128xf32>
    %squeeze3A_4 = vector.shape_cast %slice3A_3 : vector<1x400x128xf32> to vector<400x128xf32>
    %add3A = arith.addf %squeeze3A, %squeeze3A_4 : vector<400x128xf32>
    %slice3A_5 = vector.extract_strided_slice %add3A {offsets = [0, 0], sizes = [400, 1], strides = [1, 1]} : vector<400x128xf32> to vector<400x1xf32>
    %max3A = arith.constant 1.000000e+00 : f32
    %max3A_6 = vector.broadcast %max3A : f32 to vector<400x1xf32>
    %max3A_7 = arith.maximumf %slice3A_5, %max3A_6 : vector<400x1xf32>
    %rsqrt3A = math.rsqrt %max3A_7 : vector<400x1xf32>
    %get3A_8 = arith.constant 0 : index
    %get3A_9 = arith.constant 0 : index
    %get3A_10 = vector.load %arg2[%get3A_8, %get3A_9] : memref<400x128xf32, #tpu.memory_space<vmem>>, vector<400x128xf32>
    %get3A_11 = arith.constant 0 : index
    %get3A_12 = arith.constant 0 : index
    %get3A_13 = vector.load %arg3[%get3A_11, %get3A_12] : memref<128x128xf32, #tpu.memory_space<vmem>>, vector<128x128xf32>
    %dot_general3A = arith.constant dense<0.000000e+00> : vector<400x128xf32>
    %dot_general3A_14 = tpu.matmul %get3A_10, %get3A_13, %dot_general3A {dimension_numbers = #tpu.dot_dimension_numbers<[1], [0], [0], [1], [0, 0, 1, 1], [], []>, transpose_lhs_hint = false} : vector<400x128xf32>, vector<128x128xf32>, vector<400x128xf32> -> vector<400x128xf32>
    %get3A_15 = arith.constant 0 : index
    %get3A_16 = arith.constant 0 : index
    %get3A_17 = vector.load %arg4[%get3A_15, %get3A_16] : memref<1x128xf32, #tpu.memory_space<vmem>>, vector<1x128xf32>
    %add3A_18 = vector.broadcast %get3A_17 : vector<1x128xf32> to vector<400x128xf32>
    %add3A_19 = arith.addf %dot_general3A_14, %add3A_18 : vector<400x128xf32>
    %swap3A = arith.constant 0 : index
    %swap3A_20 = arith.constant 0 : index
    %swap3A_21 = vector.load %arg7[%swap3A, %swap3A_20] : memref<400x128xf32, #tpu.memory_space<vmem>>, vector<400x128xf32>
    tpu.vector_store %arg7[%swap3A, %swap3A_20], %add3A_19 {strides = array<i32>} : memref<400x128xf32, #tpu.memory_space<vmem>>, vector<400x128xf32>,
    %get3A_22 = arith.constant 0 : index
    %get3A_23 = arith.constant 0 : index
    %get3A_24 = vector.load %arg5[%get3A_22, %get3A_23] : memref<1x128xf32, #tpu.memory_space<vmem>>, vector<1x128xf32>
    %get3A_25 = arith.constant 0 : index
    %get3A_26 = arith.constant 0 : index
    %get3A_27 = vector.load %arg6[%get3A_25, %get3A_26] : memref<1x1xf32, #tpu.memory_space<vmem>>, vector<1x1xf32>
    %get3A_28 = vector.extract %get3A_27[0, 0] : f32 from vector<1x1xf32>
    %mul3A = vector.broadcast %get3A_24 : vector<1x128xf32> to vector<400x128xf32>
    %mul3A_29 = arith.mulf %add3A_19, %mul3A : vector<400x128xf32>
    %reduce_sum3A = arith.constant dense<0.000000e+00> : vector<400xf32>
    %reduce_sum3A_30 = vector.multi_reduction <add>, %mul3A_29, %reduce_sum3A [1] : vector<400x128xf32> to vector<400xf32>
    %broadcast_in_dim3A = vector.shape_cast %reduce_sum3A_30 : vector<400xf32> to vector<400x1xf32>
    %add3A_31 = vector.broadcast %get3A_28 : f32 to vector<400x1xf32>
    %add3A_32 = arith.addf %broadcast_in_dim3A, %add3A_31 : vector<400x1xf32>
    %tanh3A = math.tanh %add3A_32 : vector<400x1xf32>
    %mul3A_33 = arith.mulf %tanh3A, %rsqrt3A : vector<400x1xf32>
    %mul3A_34 = vector.broadcast %mul3A_33 : vector<400x1xf32> to vector<400x128xf32>
    %mul3A_35 = arith.mulf %add3A_19, %mul3A_34 : vector<400x128xf32>
    %swap3A_36 = arith.constant 0 : index
    %swap3A_37 = arith.constant 0 : index
    %swap3A_38 = vector.load %arg8[%swap3A_36, %swap3A_37] : memref<400x128xf32, #tpu.memory_space<vmem>>, vector<400x128xf32>
    tpu.vector_store %arg8[%swap3A_36, %swap3A_37], %mul3A_35 {strides = array<i32>} : memref<400x128xf32, #tpu.memory_space<vmem>>, vector<400x128xf32>,
    %swap3A_39 = arith.constant 0 : index
    %swap3A_40 = arith.constant 0 : index
    %swap3A_41 = vector.load %arg9[%swap3A_39, %swap3A_40] : memref<400x1xf32, #tpu.memory_space<vmem>>, vector<400x1xf32>
    tpu.vector_store %arg9[%swap3A_39, %swap3A_40], %rsqrt3A {strides = array<i32>} : memref<400x1xf32, #tpu.memory_space<vmem>>, vector<400x1xf32>,
    return
  }
  func.func @transform_0(%arg0: i32) -> (i32, i32, i32) {
    %c0_i32 = arith.constant 0 : i32
    %c0_i32_0 = arith.constant 0 : i32
    %c0_i32_1 = arith.constant 0 : i32
    return %c0_i32, %arg0, %c0_i32_0 : i32, i32, i32
  }
  func.func @transform_1(%arg0: i32) -> (i32, i32) {
    %c0_i32 = arith.constant 0 : i32
    %c0_i32_0 = arith.constant 0 : i32
    return %arg0, %c0_i32 : i32, i32
  }
  func.func @transform_2(%arg0: i32) -> (i32, i32) {
    %c0_i32 = arith.constant 0 : i32
    %c0_i32_0 = arith.constant 0 : i32
    %c0_i32_1 = arith.constant 0 : i32
    return %c0_i32, %c0_i32_0 : i32, i32
  }
  func.func @transform_3(%arg0: i32) -> (i32, i32) {
    %c0_i32 = arith.constant 0 : i32
    %c0_i32_0 = arith.constant 0 : i32
    %c0_i32_1 = arith.constant 0 : i32
    return %c0_i32, %c0_i32_0 : i32, i32
  }
  func.func @transform_4(%arg0: i32) -> (i32, i32) {
    %c0_i32 = arith.constant 0 : i32
    %c0_i32_0 = arith.constant 0 : i32
    %c0_i32_1 = arith.constant 0 : i32
    return %c0_i32, %c0_i32_0 : i32, i32
  }
  func.func @transform_5(%arg0: i32) -> (i32, i32) {
    %c0_i32 = arith.constant 0 : i32
    %c0_i32_0 = arith.constant 0 : i32
    %c0_i32_1 = arith.constant 0 : i32
    return %c0_i32, %c0_i32_0 : i32, i32
  }
  func.func @transform_6(%arg0: i32) -> (i32, i32) {
    %c0_i32 = arith.constant 0 : i32
    %c0_i32_0 = arith.constant 0 : i32
    return %arg0, %c0_i32 : i32, i32
  }
  func.func @transform_7(%arg0: i32) -> (i32, i32) {
    %c0_i32 = arith.constant 0 : i32
    %c0_i32_0 = arith.constant 0 : i32
    return %arg0, %c0_i32 : i32, i32
  }
  func.func @transform_8(%arg0: i32) -> (i32, i32) {
    %c0_i32 = arith.constant 0 : i32
    %c0_i32_0 = arith.constant 0 : i32
    return %arg0, %c0_i32 : i32, i32
  }
}

module attributes {stable_mosaic.version = 14 : i64} {
  func.func @_t2_body(%arg0: i32, %arg1: memref<2x400x128xf32, #tpu.memory_space<vmem>>, %arg2: memref<400x128xf32, #tpu.memory_space<vmem>>, %arg3: memref<400x1xf32, #tpu.memory_space<vmem>>, %arg4: memref<128x128xf32, #tpu.memory_space<vmem>>, %arg5: memref<1x128xf32, #tpu.memory_space<vmem>>, %arg6: memref<1x128xf32, #tpu.memory_space<vmem>>, %arg7: memref<1x1xf32, #tpu.memory_space<vmem>>, %arg8: memref<400x128xf32, #tpu.memory_space<vmem>>, %arg9: memref<400x128xf32, #tpu.memory_space<vmem>>) attributes {dimension_semantics = [#tpu.dimension_semantics<arbitrary>], iteration_bounds = array<i64: 25>, scalar_prefetch = 0 : i64, scratch_operands = 0 : i64, tpu.core_type = #tpu.core_type<tc>, window_params = [{transform_indices = @transform_0, window_bounds = array<i64: 2, 400, 128>}, {transform_indices = @transform_1, window_bounds = array<i64: 400, 128>}, {transform_indices = @transform_2, window_bounds = array<i64: 400, 1>}, {pipeline_mode = #tpu.pipeline_mode<synchronous>, transform_indices = @transform_3, window_bounds = array<i64: 128, 128>}, {pipeline_mode = #tpu.pipeline_mode<synchronous>, transform_indices = @transform_4, window_bounds = array<i64: 1, 128>}, {pipeline_mode = #tpu.pipeline_mode<synchronous>, transform_indices = @transform_5, window_bounds = array<i64: 1, 128>}, {pipeline_mode = #tpu.pipeline_mode<synchronous>, transform_indices = @transform_6, window_bounds = array<i64: 1, 1>}, {transform_indices = @transform_7, window_bounds = array<i64: 400, 128>}, {transform_indices = @transform_8, window_bounds = array<i64: 400, 128>}]} {
    %get3A = arith.constant 0 : index
    %get3A_0 = arith.constant 0 : index
    %get3A_1 = arith.constant 0 : index
    %get3A_2 = vector.load %arg1[%get3A, %get3A_0, %get3A_1] : memref<2x400x128xf32, #tpu.memory_space<vmem>>, vector<2x400x128xf32>
    %get3A_3 = arith.constant 0 : index
    %get3A_4 = arith.constant 0 : index
    %get3A_5 = vector.load %arg3[%get3A_3, %get3A_4] : memref<400x1xf32, #tpu.memory_space<vmem>>, vector<400x1xf32>
    %slice3A = vector.extract_strided_slice %get3A_2 {offsets = [0, 0, 0], sizes = [1, 400, 128], strides = [1, 1, 1]} : vector<2x400x128xf32> to vector<1x400x128xf32>
    %squeeze3A = vector.shape_cast %slice3A : vector<1x400x128xf32> to vector<400x128xf32>
    %slice3A_6 = vector.extract_strided_slice %get3A_2 {offsets = [1, 0, 0], sizes = [1, 400, 128], strides = [1, 1, 1]} : vector<2x400x128xf32> to vector<1x400x128xf32>
    %squeeze3A_7 = vector.shape_cast %slice3A_6 : vector<1x400x128xf32> to vector<400x128xf32>
    %add3A = arith.addf %squeeze3A, %squeeze3A_7 : vector<400x128xf32>
    %mul3A = vector.broadcast %get3A_5 : vector<400x1xf32> to vector<400x128xf32>
    %mul3A_8 = arith.mulf %mul3A, %add3A : vector<400x128xf32>
    %get3A_9 = arith.constant 0 : index
    %get3A_10 = arith.constant 0 : index
    %get3A_11 = vector.load %arg2[%get3A_9, %get3A_10] : memref<400x128xf32, #tpu.memory_space<vmem>>, vector<400x128xf32>
    %add3A_12 = arith.addf %mul3A_8, %get3A_11 : vector<400x128xf32>
    %max3A = arith.constant 0.000000e+00 : f32
    %max3A_13 = vector.broadcast %max3A : f32 to vector<400x128xf32>
    %max3A_14 = arith.maximumf %add3A_12, %max3A_13 : vector<400x128xf32>
    %get3A_15 = arith.constant 0 : index
    %get3A_16 = arith.constant 0 : index
    %get3A_17 = vector.load %arg4[%get3A_15, %get3A_16] : memref<128x128xf32, #tpu.memory_space<vmem>>, vector<128x128xf32>
    %dot_general3A = arith.constant dense<0.000000e+00> : vector<400x128xf32>
    %dot_general3A_18 = tpu.matmul %max3A_14, %get3A_17, %dot_general3A {dimension_numbers = #tpu.dot_dimension_numbers<[1], [0], [0], [1], [0, 0, 1, 1], [], []>, transpose_lhs_hint = false} : vector<400x128xf32>, vector<128x128xf32>, vector<400x128xf32> -> vector<400x128xf32>
    %get3A_19 = arith.constant 0 : index
    %get3A_20 = arith.constant 0 : index
    %get3A_21 = vector.load %arg5[%get3A_19, %get3A_20] : memref<1x128xf32, #tpu.memory_space<vmem>>, vector<1x128xf32>
    %add3A_22 = vector.broadcast %get3A_21 : vector<1x128xf32> to vector<400x128xf32>
    %add3A_23 = arith.addf %dot_general3A_18, %add3A_22 : vector<400x128xf32>
    %swap3A = arith.constant 0 : index
    %swap3A_24 = arith.constant 0 : index
    %swap3A_25 = vector.load %arg8[%swap3A, %swap3A_24] : memref<400x128xf32, #tpu.memory_space<vmem>>, vector<400x128xf32>
    tpu.vector_store %arg8[%swap3A, %swap3A_24], %add3A_23 {strides = array<i32>} : memref<400x128xf32, #tpu.memory_space<vmem>>, vector<400x128xf32>,
    %get3A_26 = arith.constant 0 : index
    %get3A_27 = arith.constant 0 : index
    %get3A_28 = vector.load %arg6[%get3A_26, %get3A_27] : memref<1x128xf32, #tpu.memory_space<vmem>>, vector<1x128xf32>
    %get3A_29 = arith.constant 0 : index
    %get3A_30 = arith.constant 0 : index
    %get3A_31 = vector.load %arg7[%get3A_29, %get3A_30] : memref<1x1xf32, #tpu.memory_space<vmem>>, vector<1x1xf32>
    %get3A_32 = vector.extract %get3A_31[0, 0] : f32 from vector<1x1xf32>
    %mul3A_33 = vector.broadcast %get3A_28 : vector<1x128xf32> to vector<400x128xf32>
    %mul3A_34 = arith.mulf %add3A_23, %mul3A_33 : vector<400x128xf32>
    %reduce_sum3A = arith.constant dense<0.000000e+00> : vector<400xf32>
    %reduce_sum3A_35 = vector.multi_reduction <add>, %mul3A_34, %reduce_sum3A [1] : vector<400x128xf32> to vector<400xf32>
    %broadcast_in_dim3A = vector.shape_cast %reduce_sum3A_35 : vector<400xf32> to vector<400x1xf32>
    %add3A_36 = vector.broadcast %get3A_32 : f32 to vector<400x1xf32>
    %add3A_37 = arith.addf %broadcast_in_dim3A, %add3A_36 : vector<400x1xf32>
    %tanh3A = math.tanh %add3A_37 : vector<400x1xf32>
    %mul3A_38 = arith.mulf %tanh3A, %get3A_5 : vector<400x1xf32>
    %mul3A_39 = vector.broadcast %mul3A_38 : vector<400x1xf32> to vector<400x128xf32>
    %mul3A_40 = arith.mulf %add3A_23, %mul3A_39 : vector<400x128xf32>
    %swap3A_41 = arith.constant 0 : index
    %swap3A_42 = arith.constant 0 : index
    %swap3A_43 = vector.load %arg9[%swap3A_41, %swap3A_42] : memref<400x128xf32, #tpu.memory_space<vmem>>, vector<400x128xf32>
    tpu.vector_store %arg9[%swap3A_41, %swap3A_42], %mul3A_40 {strides = array<i32>} : memref<400x128xf32, #tpu.memory_space<vmem>>, vector<400x128xf32>,
    return
  }
  func.func @transform_0(%arg0: i32) -> (i32, i32, i32) {
    %c0_i32 = arith.constant 0 : i32
    %c0_i32_0 = arith.constant 0 : i32
    %c0_i32_1 = arith.constant 0 : i32
    return %c0_i32, %arg0, %c0_i32_0 : i32, i32, i32
  }
  func.func @transform_1(%arg0: i32) -> (i32, i32) {
    %c0_i32 = arith.constant 0 : i32
    %c0_i32_0 = arith.constant 0 : i32
    return %arg0, %c0_i32 : i32, i32
  }
  func.func @transform_2(%arg0: i32) -> (i32, i32) {
    %c0_i32 = arith.constant 0 : i32
    %c0_i32_0 = arith.constant 0 : i32
    return %arg0, %c0_i32 : i32, i32
  }
  func.func @transform_3(%arg0: i32) -> (i32, i32) {
    %c0_i32 = arith.constant 0 : i32
    %c0_i32_0 = arith.constant 0 : i32
    %c0_i32_1 = arith.constant 0 : i32
    return %c0_i32, %c0_i32_0 : i32, i32
  }
  func.func @transform_4(%arg0: i32) -> (i32, i32) {
    %c0_i32 = arith.constant 0 : i32
    %c0_i32_0 = arith.constant 0 : i32
    %c0_i32_1 = arith.constant 0 : i32
    return %c0_i32, %c0_i32_0 : i32, i32
  }
  func.func @transform_5(%arg0: i32) -> (i32, i32) {
    %c0_i32 = arith.constant 0 : i32
    %c0_i32_0 = arith.constant 0 : i32
    %c0_i32_1 = arith.constant 0 : i32
    return %c0_i32, %c0_i32_0 : i32, i32
  }
  func.func @transform_6(%arg0: i32) -> (i32, i32) {
    %c0_i32 = arith.constant 0 : i32
    %c0_i32_0 = arith.constant 0 : i32
    %c0_i32_1 = arith.constant 0 : i32
    return %c0_i32, %c0_i32_0 : i32, i32
  }
  func.func @transform_7(%arg0: i32) -> (i32, i32) {
    %c0_i32 = arith.constant 0 : i32
    %c0_i32_0 = arith.constant 0 : i32
    return %arg0, %c0_i32 : i32, i32
  }
  func.func @transform_8(%arg0: i32) -> (i32, i32) {
    %c0_i32 = arith.constant 0 : i32
    %c0_i32_0 = arith.constant 0 : i32
    return %arg0, %c0_i32 : i32, i32
  }
}

module attributes {stable_mosaic.version = 14 : i64} {
  func.func @_t3_body(%arg0: i32, %arg1: memref<2x400x128xf32, #tpu.memory_space<vmem>>, %arg2: memref<400x128xf32, #tpu.memory_space<vmem>>, %arg3: memref<400x1xf32, #tpu.memory_space<vmem>>, %arg4: memref<400x128xf32, #tpu.memory_space<vmem>>) attributes {dimension_semantics = [#tpu.dimension_semantics<arbitrary>], iteration_bounds = array<i64: 25>, scalar_prefetch = 0 : i64, scratch_operands = 0 : i64, tpu.core_type = #tpu.core_type<tc>, window_params = [{transform_indices = @transform_0, window_bounds = array<i64: 2, 400, 128>}, {transform_indices = @transform_1, window_bounds = array<i64: 400, 128>}, {transform_indices = @transform_2, window_bounds = array<i64: 400, 1>}, {transform_indices = @transform_3, window_bounds = array<i64: 400, 128>}]} {
    %get3A = arith.constant 0 : index
    %get3A_0 = arith.constant 0 : index
    %get3A_1 = arith.constant 0 : index
    %get3A_2 = vector.load %arg1[%get3A, %get3A_0, %get3A_1] : memref<2x400x128xf32, #tpu.memory_space<vmem>>, vector<2x400x128xf32>
    %get3A_3 = arith.constant 0 : index
    %get3A_4 = arith.constant 0 : index
    %get3A_5 = vector.load %arg3[%get3A_3, %get3A_4] : memref<400x1xf32, #tpu.memory_space<vmem>>, vector<400x1xf32>
    %slice3A = vector.extract_strided_slice %get3A_2 {offsets = [0, 0, 0], sizes = [1, 400, 128], strides = [1, 1, 1]} : vector<2x400x128xf32> to vector<1x400x128xf32>
    %squeeze3A = vector.shape_cast %slice3A : vector<1x400x128xf32> to vector<400x128xf32>
    %slice3A_6 = vector.extract_strided_slice %get3A_2 {offsets = [1, 0, 0], sizes = [1, 400, 128], strides = [1, 1, 1]} : vector<2x400x128xf32> to vector<1x400x128xf32>
    %squeeze3A_7 = vector.shape_cast %slice3A_6 : vector<1x400x128xf32> to vector<400x128xf32>
    %add3A = arith.addf %squeeze3A, %squeeze3A_7 : vector<400x128xf32>
    %mul3A = vector.broadcast %get3A_5 : vector<400x1xf32> to vector<400x128xf32>
    %mul3A_8 = arith.mulf %mul3A, %add3A : vector<400x128xf32>
    %get3A_9 = arith.constant 0 : index
    %get3A_10 = arith.constant 0 : index
    %get3A_11 = vector.load %arg2[%get3A_9, %get3A_10] : memref<400x128xf32, #tpu.memory_space<vmem>>, vector<400x128xf32>
    %add3A_12 = arith.addf %mul3A_8, %get3A_11 : vector<400x128xf32>
    %swap3A = arith.constant 0 : index
    %swap3A_13 = arith.constant 0 : index
    %swap3A_14 = vector.load %arg4[%swap3A, %swap3A_13] : memref<400x128xf32, #tpu.memory_space<vmem>>, vector<400x128xf32>
    tpu.vector_store %arg4[%swap3A, %swap3A_13], %add3A_12 {strides = array<i32>} : memref<400x128xf32, #tpu.memory_space<vmem>>, vector<400x128xf32>,
    return
  }
  func.func @transform_0(%arg0: i32) -> (i32, i32, i32) {
    %c0_i32 = arith.constant 0 : i32
    %c0_i32_0 = arith.constant 0 : i32
    %c0_i32_1 = arith.constant 0 : i32
    return %c0_i32, %arg0, %c0_i32_0 : i32, i32, i32
  }
  func.func @transform_1(%arg0: i32) -> (i32, i32) {
    %c0_i32 = arith.constant 0 : i32
    %c0_i32_0 = arith.constant 0 : i32
    return %arg0, %c0_i32 : i32, i32
  }
  func.func @transform_2(%arg0: i32) -> (i32, i32) {
    %c0_i32 = arith.constant 0 : i32
    %c0_i32_0 = arith.constant 0 : i32
    return %arg0, %c0_i32 : i32, i32
  }
  func.func @transform_3(%arg0: i32) -> (i32, i32) {
    %c0_i32 = arith.constant 0 : i32
    %c0_i32_0 = arith.constant 0 : i32
    return %arg0, %c0_i32 : i32, i32
  }
}

</mosaic_0001>

<sc_bundles>
// kernel: kernel.11.cloned.1.call-start
scs
__scs_entry_jumppad:
0x0: {  	(pc) =	sbr.rel $0x88, $3  }
0x1: {  	(tag) =	ssettag $0x0;
	lr =	simm.s32 $0x1  }
0x2: {  	[smem:$0x3F97] =	sst lr;
	_ =	strace $0xD0000000  }
0x3: {  	_ = 	snop  }
0x4: {  	_ = 	snop  }
0x5: {  	_ = 	snop  }
0x6: {  	_ = 	snop  }
0x7: {  	_ = 	snop  }
__scs_overlays_trampoline_lowered:
0x8: {  	[smem:$0x3FA6] =	sst s0  }
0x9: {  	[smem:$0x3FA7] =	sst s1  }
0xa: {  	[smem:$0x3FA8] =	sst s2  }
0xb: {  	[smem:$0x3FA9] =	sst s3  }
0xc: {  	[smem:$0x3FAA] =	sst s4  }
0xd: {  	[smem:$0x3FAB] =	sst s5  }
0xe: {  	[smem:$0x3FAC] =	sst s6  }
0xf: {  	[smem:$0x3FAD] =	sst s7  }
0x10: {  	[smem:$0x3FAE] =	sst s8  }
0x11: {  	[smem:$0x3FAF] =	sst s9;
	s0 =	simm.s32 @!p0 $0x0  }
0x12: {  	s1 =	sld [smem:$0x3F95];
	s0 =	simm.s32 @p0 $0x1  }
0x13: {  	[smem:$0x3FB0] =	sst s0;
	s0 =	simm.s32 @!p1 $0x0  }
0x14: {  	s2 =	sld [smem:$0x3F94];
	s0 =	simm.s32 @p1 $0x1  }
0x15: {  	[smem:$0x3FB1] =	sst s0;
	s0 =	simm.s32 @!p2 $0x0  }
0x16: {  	s3 =	sld [smem:$0x3FDB];
	s0 =	simm.s32 @p2 $0x1  }
0x17: {  	s4 =	simm.s32 $0x1BF5;
	[smem:$0x3FB3] =	sst s0  }
0x18: {  	s0 =	sld [smem:$0x3F96];
	_ =	swait.ge [sflag:s4], $0x0  }
0x19: {  	s7 =	sld [smem:$0x3F97]  }
0x1a: {  	s8 =	sadd.s32 $0xFFFFE003, lr  }
0x1b: {  	s9 =	sadd.s32 $0xFFFFFEF7, lr;
	s5 =	simm.s32 $0xFFFFFFFF;
	p2 =	slt.u32 s8, $0xFFFFF086  }
0x1c: {  	p1 =	slt.u32 s9, $0xF7A;
	s5 =	simm.s32 @!p2 $0x0  }
0x1d: {  	s5 =	simm.s32 @p1 $0x1;
	p0 =	seq.s32 s7, s2  }
0x1e: {  	s7 =	smul.u32 @!p0 $0xF7A, s2;
	p2 =	seq.s32 @!p0 s5, $0x0  }
0x1f: {  	s9 =	smul.u32 $0xF7A, s1;
	s8 =	simm.s32 @!p0 $0x1BF5;
	p2 =	por !p2, p0  }
0x20: {  	[sflag:s8] =	ssyncset.s32 @!p0 $0xFFFFF086;
	s6 =	sadd.s32 @!p0 s3, s7;
	s7 =	simm.s32 @!p0 $0x108  }
0x21: {  	s3 =	sadd.s32 s3, s9;
	s6 =	sadd.s32 @!p0 $0x88, s6;
	s7 =	simm.s32 @p2 $0x1082  }
0x22: {  	[simem:s7], [sflag:s8] =	dma.local @!p0 [hbm:s6], $0xF7A  }
0x23: {  	s9 =	sor.u32 $0xD0000000, s2;
	s6 =	simm.s32 $0x108;
	_ =	swait.ge @!p0 [sflag:s8], $0x0  }
0x24: {  	s3 =	sadd.s32 $0x88, s3;
	s6 =	simm.s32 @!p1 $0x1082;
	[sflag:s4] =	ssyncset.s32 $0xFFFFF086  }
0x25: {  	[simem:s6], [sflag:s4] =	dma.local [hbm:s3], $0xF7A  }
0x26: {  	[smem:$0x3F97] =	sst s1;
	(tag) =	ssettag s2;
	_ =	strace s9  }
0x27: {  	s1 =	sld [smem:$0x3FA7]  }
0x28: {  	s2 =	sld [smem:$0x3FA8]  }
0x29: {  	s4 =	sld [smem:$0x3FAA]  }
0x2a: {  	p0 =	seq.s32 s5, $0x0;
	s5 =	sld [smem:$0x3FAB]  }
0x2b: {  	s6 =	sld [smem:$0x3FAC]  }
0x2c: {  	s7 =	sld [smem:$0x3FAD]  }
0x2d: {  	s3 =	simm.s32 $0x108;
	s8 =	sld [smem:$0x3FAE]  }
0x2e: {  	s3 =	simm.s32 @!p0 $0x1082;
	s9 =	sld [smem:$0x3FAF]  }
0x2f: {  	lr =	sadd.s32 s0, s3;
	s0 =	sld [smem:$0x3FA6]  }
0x30: {  	s3 =	sld [smem:$0x3FA9]  }
0x31: {  	[smem:$0x3FB2] =	sst s10  }
0x32: {  	s10 =	sld [smem:$0x3FB0];
	_ =	sdelay $0x3  }
0x33: {  	p0 =	seq.s32 s10, $0x1;
	s10 =	sld [smem:$0x3FB2];
	_ =	sdelay $0x3  }
0x34: {  	[smem:$0x3FB2] =	sst s10  }
0x35: {  	s10 =	sld [smem:$0x3FB1];
	_ =	sdelay $0x3  }
0x36: {  	p1 =	seq.s32 s10, $0x1;
	s10 =	sld [smem:$0x3FB2];
	_ =	sdelay $0x3  }
0x37: {  	[smem:$0x3FB2] =	sst s10  }
0x38: {  	s10 =	sld [smem:$0x3FB3]  }
0x39: {  	_ = 	snop;
	(pc) =	sbr.ind lr, $3  }
0x3a: {  	_ = 	snop  }
0x3b: {  	_ = 	snop  }
0x3c: {  	p2 =	seq.s32 s10, $0x1;
	s10 =	sld [smem:$0x3FB2]  }
0x3d: {  	_ =	shalt  }
0x3e: {  	_ =	shalt  }
0x3f: {  	_ =	shalt  }
0x40: {  	_ =	shalt  }
0x41: {  	_ =	shalt  }
0x42: {  	_ =	shalt  }
0x43: {  	_ =	shalt  }
0x44: {  	_ =	shalt  }
0x45: {  	_ =	shalt  }
0x46: {  	_ =	shalt  }
0x47: {  	_ =	shalt  }
0x48: {  	_ =	shalt  }
0x49: {  	_ =	shalt  }
0x4a: {  	_ =	shalt  }
0x4b: {  	_ =	shalt  }
0x4c: {  	_ =	shalt  }
0x4d: {  	_ =	shalt  }
0x4e: {  	_ =	shalt  }
0x4f: {  	_ =	shalt  }
0x50: {  	_ =	shalt  }
0x51: {  	_ =	shalt  }
0x52: {  	_ =	shalt  }
0x53: {  	_ =	shalt  }
0x54: {  	_ =	shalt  }
0x55: {  	_ =	shalt  }
0x56: {  	_ =	shalt  }
0x57: {  	_ =	shalt  }
0x58: {  	_ =	shalt  }
0x59: {  	_ =	shalt  }
0x5a: {  	_ =	shalt  }
0x5b: {  	_ =	shalt  }
0x5c: {  	_ =	shalt  }
0x5d: {  	_ =	shalt  }
0x5e: {  	_ =	shalt  }
0x5f: {  	_ =	shalt  }
0x60: {  	_ =	shalt  }
0x61: {  	_ =	shalt  }
0x62: {  	_ =	shalt  }
0x63: {  	_ =	shalt  }
0x64: {  	_ =	shalt  }
0x65: {  	_ =	shalt  }
0x66: {  	_ =	shalt  }
0x67: {  	_ =	shalt  }
0x68: {  	_ =	shalt  }
0x69: {  	_ =	shalt  }
0x6a: {  	_ =	shalt  }
0x6b: {  	_ =	shalt  }
0x6c: {  	_ =	shalt  }
0x6d: {  	_ =	shalt  }
0x6e: {  	_ =	shalt  }
0x6f: {  	_ =	shalt  }
0x70: {  	_ =	shalt  }
0x71: {  	_ =	shalt  }
0x72: {  	_ =	shalt  }
0x73: {  	_ =	shalt  }
0x74: {  	_ =	shalt  }
0x75: {  	_ =	shalt  }
0x76: {  	_ =	shalt  }
0x77: {  	_ =	shalt  }
0x78: {  	_ =	shalt  }
0x79: {  	_ =	shalt  }
0x7a: {  	_ =	shalt  }
0x7b: {  	_ =	shalt  }
0x7c: {  	_ =	shalt  }
0x7d: {  	_ =	shalt  }
0x7e: {  	_ =	shalt  }
0x7f: {  	_ =	shalt  }
0x80: {  	_ =	shalt  }
0x81: {  	_ =	shalt  }
0x82: {  	_ =	shalt  }
0x83: {  	_ =	shalt  }
0x84: {  	_ =	shalt  }
0x85: {  	_ =	shalt  }
0x86: {  	_ =	shalt  }
0x87: {  	_ =	shalt  }
.Lfunc_end0:
.L_simem_size_0:
called_computation.1_lowered:
.L_overlay_start_0:
0x88: {  	s2 =	sld [smem:$0x3FD9]  }
0x89: {  	s3 =	sld [smem:$0x3FFE];
	_ =	sdelay $0x1  }
0x8a: {  	s1 =	srdreg.scid  }
0x8b: {  	s0 =	sand.u32 $0x1, s1  }
0x8c: {  	s17 =	sshll.u32 s0, $0xA;
	s2 =	sadd.s32 s3, s2  }
0x8d: {  	s2 =	sadd.s32 s2, s17  }
0x8e: {  	[smem:$0x3FBE] =	sst s2  }
0x8f: {  	_ = 	snop  }
0x90: {  	s2 =	sld [smem:$0x3FD0];
	(tm) =	ssettm $0x1  }
0x91: {  	s18 =	sld [smem:$0x3FFB];
	_ =	sdelay $0x3  }
0x92: {  	_ =	strace s18  }
0x93: {  	s3 =	sld [smem:$0x3FFC];
	_ =	sdelay $0x3  }
0x94: {  	_ =	strace s3  }
0x95: {  	s3 =	sld [smem:$0x3FFD];
	_ =	sdelay $0x3  }
0x96: {  	_ =	strace s3  }
0x97: {  	_ =	strace $0x8FFFFFFF  }
0x98: {  	s19 =	sld [smem:$0x3FDB];
	_ =	sdelay $0x1  }
0x99: {  	s4 =	simm.s32 $_scs_section_size  }
0x9a: {  	s5 =	simm.s32 $_size__tile_overlayer_lowered;
	s6 =	simm.s32 $_tile_overlayer_lowered  }
0x9b: {  	s22 =	simm.s32 $0x1BFF;
	s21 =	sshll.u32 s6, $0x1;
	s3 =	sadd.s32 s4, s19  }
0x9c: {  	s7 =	simm.s32 $0x0;
	s20 =	sshll.u32 s5, $0x1;
	s5 =	sadd.s32 s21, s3  }
0x9d: {  	[timem:s7], [sflag:s22] =	dma.local [hbm:s5], s20  }
0x9e: {  	_ =	swait.ge [sflag:s22], s20  }
0x9f: {  	s4 =	ssub.s32 $0x0, s20;
	[sflag:s22] =	ssyncset.done $0x0  }
0xa0: {  	[sflag:s22] =	ssyncadd.s32 s4;
	_ =	sdelay $0x1  }
0xa1: {  	s23 =	simm.s32 $0x1B8B  }
0xa2: {  	_ =	swait.ge [sflag:s23], $0x1  }
0xa3: {  	[sflag:s23] =	ssyncset.done $0x0  }
0xa4: {  	s25 =	simm.s32 $0x1B8E;
	s24 =	sld [smem:$0x3FFE];
	[sflag:s23] =	ssyncadd.s32 $0xFFFFFFFF  }
0xa5: {  	s26 =	simm.s32 $execute0_lowered;
	[smem:$0x3FD2] =	sst s25  }
0xa6: {  	s5 =	sshll.u32 s26, $0x1;
	_ =	strace $0x80000049;
	[dreg:$0x1] =	wrdreg $0xFFFFFFFF  }
0xa7: {  	s28 =	simm.s32 $_size_execute0_lowered;
	s3 =	sadd.s32 s3, s5;
	[dreg:$0x0] =	wrdreg $0x0  }
0xa8: {  	s5 =	sshll.u32 s28, $0x1;
	[dreg:$0x2] =	wrdreg s3  }
0xa9: {  	[dreg:$0x3] =	wrdreg s5  }
0xaa: {  	[dreg:$0x4] =	wrdreg $0xC0  }
0xab: {  	_ =	task [dreg:s7], $0x5FFFF  }
0xac: {  	[dreg:$0x1] =	wrdreg $0xFFFFFFFF  }
0xad: {  	[dreg:$0x0] =	wrdreg $0x60  }
0xae: {  	[dreg:$0x2] =	wrdreg s2  }
0xaf: {  	[dreg:$0x3] =	wrdreg s24  }
0xb0: {  	[dreg:$0x4] =	wrdreg $0x90000  }
0xb1: {  	[dreg:$0x5] =	wrdreg $0x9  }
0xb2: {  	_ =	task.clear_ibuf [dreg:s7], $0x6FFFF;
	_ =	strace $0x90000049  }
0xb3: {  	s29 =	simm.s32 $0x9;
	_ =	strace $0x8000004B  }
0xb4: {  	_ =	swait.ge [sflag:s29], $0x1  }
0xb5: {  	[sflag:s29] =	ssyncadd.s32 $0xFFFFFFFF  }
0xb6: {  	_ =	strace $0x9000004B  }
0xb7: {  	_ =	sfence  }
0xb8: {  	s30 =	sld [smem:$0x0];
	_ =	sdelay $0x2  }
0xb9: {  	s31 =	sshll.u32 s1, $0xD;
	s1 =	sshrl.u32 s1, $0x2  }
0xba: {  	s3 =	sand.u32 $0x4000, s31;
	s1 =	sadd.s32 s1, s30  }
0xbb: {  	s0 =	sor.u32 s3, s0;
	s1 =	sshll.u32 s1, $0x11  }
0xbc: {  	s0 =	sor.u32 s1, s0  }
0xbd: {  	s0 =	sadd.s32 $0x8F2B, s0  }
0xbe: {  	[sflag:s0] =	ssyncadd.remote.s32 $0x1  }
0xbf: {  	_ =	sfence.sel $0xFFFF  }
0xc0: {  	[dreg:$0x0] =	wrdreg $0xFFFFFFFF;
	(pc) =	sbr.abs _section_cstart, $3  }
0xc1: {  	[dreg:$0x1] =	wrdreg $0xFFFFFFFF  }
0xc2: {  	_ =	task.clear_ibuf [dreg:s7], $0x2FFFF;
	_ =	strace $0x9FFFFFFF  }
0xc3: {  	(tm) =	ssettm $0x7FFFFFFF  }
tec
execute0_lowered:
.L_overlay_start_1:
0x0: {  	(tag) =	ssettag $0x1  }
0x1: {  	s1 =	rddreg [dreg:$0x0]  }
0x2: {  	s0 =	srdreg.scid;
	s7 =	rddreg [dreg:$0x1]  }
0x3: {  	s3 =	rddreg [dreg:$0x2];
	s4 =	simm.s32 $0x0;
	s14 =	simm.s32 $0x80  }
0x4: {  	s15 =	simm.s32 $0x5000;
	s16 =	simm.s32 $0x1;
	s6 =	sand.u32 $0x1, s0  }
0x5: {  	s17 =	simm.s32 $0x0;
	s0 =	stileid.u32;
	s8 =	smul.u32 $0x13C000, s6  }
0x6: {  	[smem:$0x7FF] =	sst s4;
	s2 =	sshll.u32 s6, $0x4;
	s9 =	smul.u32 $0x13C00, s0  }
0x7: {  	s28 =	smul.u32 $0x4E200, s0;
	s6 =	ssub.s32 $0x2, s6;
	s2 =	sor.u32 s0, s2  }
0x8: {  	s31 =	sshll.u32 s0, $0x6;
	s29 =	sshrl.u32 s6, $0x1;
	s5 =	smul.u32 $0x500, s2  }
0x9: {  	s2 =	rddreg [dreg:$0x3];
	_ =	strace $0x8000004A;
	s8 =	sadd.s32 s9, s8  }
0xa: {  	s30 =	sshrl.u32 s28, $0x2;
	s12 =	ssub.s32 s6, s29;
	s6 =	sor.u32 $0x1C02, s31  }
0xb: {  	s8 =	sshrl.u32 s8, $0x3;
	s13 =	sadd.s32 s30, s3;
	s10 =	sadd.s32 s5, s7  }
0xc: {  	s5 =	sadd.s32 $0x2200, s7;
	s11 =	sadd.s32 s8, s7;
	s7 =	sadd.s32 $0x54400, s10  }
0xd: {  	s8 =	sadd.s32 $0x5E400, s10;
	s9 =	sadd.s32 $0x4A00, s11;
	s10 =	smax.u32 s12, $0x1  }
0xe: {  	s11 =	sshrl.u32 s13, $0x3;
	s12 =	simm.s32 $0x2;
	s13 =	simm.s32 $0x2800  }
.LBB2_1:
0xf: {  	[spmem:s11], [sflag:s6] =	dma.local [hbm:s5], $0x2710  }
0x10: {  	_ =	swait.ge [sflag:s12], $0x2710  }
0x11: {  	[sflag:s12] =	ssyncset.done $0x0  }
0x12: {  	[sflag:s12] =	ssyncadd.s32 $0xFFFFD8F0  }
0x13: {  	[tilespmem:s4], [sflag:$0x2] =	stream.linear.gather [hbm4b:s7+s4], $0x2780, $0x38;
	[tilespmem:$0x1C8C0] =	vst v63  }
0x14: {  	_ =	swait.ge [sflag:s12], $0x2780  }
0x15: {  	[sflag:s12] =	ssyncset.done $0x0  }
0x16: {  	[sflag:s12] =	ssyncadd.s32 $0xFFFFD880  }
0x17: {  	[tilespmem:s13], [sflag:$0x2] =	stream.linear.gather [hbm4b:s8+s4], $0x2780, $0x38;
	[tilespmem:$0x1C8C0] =	vst v63  }
0x18: {  	_ =	swait.ge [sflag:s12], $0x2780  }
0x19: {  	[sflag:s12] =	ssyncset.done $0x0  }
0x1a: {  	[sflag:s12] =	ssyncadd.s32 $0xFFFFD880  }
0x1b: {  	s18 =	simm.s32 $0x0;
	[bflag:$0x0] =	sbarrier.arrive $0xFFFF  }
0x1c: {  	[tilespmem:s15], [sflag:$0x1] =	stream.indirect.gather [hbm4b:s1+s14], $0x80, s18, s14, $0xb8;
	[tilespmem:$0x1C8C0] =	vst v63  }
0x1d: {  	_ =	swait.ge [sflag:s16], $0x4000  }
0x1e: {  	[sflag:s16] =	ssyncset.done $0x0  }
0x1f: {  	s31 =	simm.s32 $0x2800;
	[sflag:s16] =	ssyncadd.s32 $0xFFFFC000  }
0x20: {  	[spmem:s3] =	stream.indirect.scatter.add.f32 [tilespmem:s15], [sflag:$0x2], $0x80, s31, s14, $0xb8;
	[tilespmem:$0x1C8C0] =	vst v63  }
0x21: {  	_ =	swait.ge [sflag:s12], $0x4000  }
0x22: {  	s19 =	simm.s32 $0x400;
	s18 =	simm.s32 $0x200;
	[sflag:s12] =	ssyncset.done $0x0  }
.LBB2_2:
0x23: {  	s20 =	sshra.s32 s18, $0x2  }
0x24: {  	[sflag:s12] =	ssyncadd.s32 $0xFFFFC000;
	s18 =	smov.u32 s19;
	s21 =	sadd.s32 $0x200, s19  }
0x25: {  	[tilespmem:s15], [sflag:$0x1] =	stream.indirect.gather [hbm4b:s1+s14], $0x80, s20, s14, $0xb8;
	[tilespmem:$0x1C8C0] =	vst v63  }
0x26: {  	p0 =	sne.s32 s19, $0x9C00;
	_ =	swait.ge [sflag:s16], $0x4000  }
.Ltmp0:
0x27: {  	[sflag:s16] =	ssyncset.done $0x0;
	(pc) =	sbr.rel @p0 .LBB2_2-.Ltmp0, $4  }
0x28: {  	s19 =	sadd.s32 $0x2800, s20;
	[sflag:s16] =	ssyncadd.s32 $0xFFFFC000  }
0x29: {  	[spmem:s3] =	stream.indirect.scatter.add.f32 [tilespmem:s15], [sflag:$0x2], $0x80, s19, s14, $0xb8;
	[tilespmem:$0x1C8C0] =	vst v63  }
0x2a: {  	_ =	swait.ge [sflag:s12], $0x4000  }
0x2b: {  	s19 =	smov.u32 s21;
	[sflag:s12] =	ssyncset.done $0x0  }
0x2c: {  	s18 =	sshra.s32 s18, $0x2;
	[sflag:s12] =	ssyncadd.s32 $0xFFFFC000  }
0x2d: {  	[tilespmem:s15], [sflag:$0x1] =	stream.indirect.gather [hbm4b:s1+s14], $0x80, s18, s14, $0xb8;
	[tilespmem:$0x1C8C0] =	vst v63  }
0x2e: {  	_ =	swait.ge [sflag:s16], $0x4000  }
0x2f: {  	[sflag:s16] =	ssyncset.done $0x0  }
0x30: {  	s18 =	sadd.s32 $0x2800, s18;
	[sflag:s16] =	ssyncadd.s32 $0xFFFFC000  }
0x31: {  	[spmem:s3] =	stream.indirect.scatter.add.f32 [tilespmem:s15], [sflag:$0x2], $0x80, s18, s14, $0xb8;
	[tilespmem:$0x1C8C0] =	vst v63  }
0x32: {  	_ =	swait.ge [sflag:s12], $0x4000  }
0x33: {  	s17 =	sadd.s32 $0x1, s17;
	[sflag:s12] =	ssyncset.done $0x0  }
0x34: {  	p0 =	sne.s32 s17, s10;
	[sflag:s12] =	ssyncadd.s32 $0xFFFFC000  }
.Ltmp1:
0x35: {  	[bflag:$0x0] =	sbarrier.arrive $0xFFFF;
	(pc) =	sbr.rel @p0 .LBB2_1-.Ltmp1, $4  }
0x36: {  	[hbm:s9], [sflag:s6] =	dma.local [spmem:s11], $0x2710  }
0x37: {  	_ =	swait.ge [sflag:s12], $0x2710  }
0x38: {  	[sflag:s12] =	ssyncset.done $0x0  }
0x39: {  	[sflag:s12] =	ssyncadd.s32 $0xFFFFD8F0  }
0x3a: {  	_ =	sfence.sel $0x180000  }
0x3b: {  	[bflag:$0x0] =	sbarrier.arrive $0xFFFF  }
0x3c: {  	p0 =	sne.s32 s0, $0x0;
	_ =	strace $0x9000004A  }
0x3d: {  	s0 =	sadd.s32 @!p0 $0x100000, s2;
	[bflag:$0x2] =	sbarrier.arrive $0xFFFF  }
0x3e: {  	[sflag:s0] =	ssyncadd.tile.s32 @!p0 $0x1;
	_ =	shalt  }
.Lfunc_end2:
_tile_overlayer_lowered:
.L_overlay_start_2:
0x3f: {  	(tag) =	ssettag $0x2  }
0x40: {  	s0 =	rddreg [dreg:$0x0];
	s2 =	stileid.u32  }
0x41: {  	s1 =	rddreg [dreg:$0x1];
	p0 =	sne.s32 s2, $0x0  }
0x42: {  	s3 =	rddreg [dreg:$0x2];
	[bflag:$0x3] =	sbarrier.arrive $0xFFFF;
	s2 =	simm.s32 @!p0 $0x1C02  }
0x43: {  	[timem:s3], [sflag:s2] =	dma.local @!p0 [hbm:s0], s1  }
0x44: {  	s0 =	simm.s32 @!p0 $0x2  }
0x45: {  	_ =	swait.ge @!p0 [sflag:s0], s1  }
0x46: {  	s1 =	ssub.s32 @!p0 $0x0, s1;
	[sflag:s0] =	ssyncset.done @!p0 $0x0  }
0x47: {  	[sflag:s0] =	ssyncadd.s32 @!p0 s1  }
0x48: {  	[bflag:$0x3] =	sbarrier.arrive $0xFFFF  }
0x49: {  	_ =	shalt  }

// kernel: kernel.14.cloned.1.call-start
scs
__scs_entry_jumppad:
0x0: {  	(pc) =	sbr.rel $0x88, $3  }
0x1: {  	(tag) =	ssettag $0x0;
	lr =	simm.s32 $0x1  }
0x2: {  	[smem:$0x3F97] =	sst lr;
	_ =	strace $0xD0000000  }
0x3: {  	_ = 	snop  }
0x4: {  	_ = 	snop  }
0x5: {  	_ = 	snop  }
0x6: {  	_ = 	snop  }
0x7: {  	_ = 	snop  }
__scs_overlays_trampoline_lowered:
0x8: {  	[smem:$0x3FA6] =	sst s0  }
0x9: {  	[smem:$0x3FA7] =	sst s1  }
0xa: {  	[smem:$0x3FA8] =	sst s2  }
0xb: {  	[smem:$0x3FA9] =	sst s3  }
0xc: {  	[smem:$0x3FAA] =	sst s4  }
0xd: {  	[smem:$0x3FAB] =	sst s5  }
0xe: {  	[smem:$0x3FAC] =	sst s6  }
0xf: {  	[smem:$0x3FAD] =	sst s7  }
0x10: {  	[smem:$0x3FAE] =	sst s8  }
0x11: {  	[smem:$0x3FAF] =	sst s9;
	s0 =	simm.s32 @!p0 $0x0  }
0x12: {  	s1 =	sld [smem:$0x3F95];
	s0 =	simm.s32 @p0 $0x1  }
0x13: {  	[smem:$0x3FB0] =	sst s0;
	s0 =	simm.s32 @!p1 $0x0  }
0x14: {  	s2 =	sld [smem:$0x3F94];
	s0 =	simm.s32 @p1 $0x1  }
0x15: {  	[smem:$0x3FB1] =	sst s0;
	s0 =	simm.s32 @!p2 $0x0  }
0x16: {  	s3 =	sld [smem:$0x3FDB];
	s0 =	simm.s32 @p2 $0x1  }
0x17: {  	s4 =	simm.s32 $0x1BF5;
	[smem:$0x3FB3] =	sst s0  }
0x18: {  	s0 =	sld [smem:$0x3F96];
	_ =	swait.ge [sflag:s4], $0x0  }
0x19: {  	s7 =	sld [smem:$0x3F97]  }
0x1a: {  	s8 =	sadd.s32 $0xFFFFE003, lr  }
0x1b: {  	s9 =	sadd.s32 $0xFFFFFEF7, lr;
	s5 =	simm.s32 $0xFFFFFFFF;
	p2 =	slt.u32 s8, $0xFFFFF086  }
0x1c: {  	p1 =	slt.u32 s9, $0xF7A;
	s5 =	simm.s32 @!p2 $0x0  }
0x1d: {  	s5 =	simm.s32 @p1 $0x1;
	p0 =	seq.s32 s7, s2  }
0x1e: {  	s7 =	smul.u32 @!p0 $0xF7A, s2;
	p2 =	seq.s32 @!p0 s5, $0x0  }
0x1f: {  	s9 =	smul.u32 $0xF7A, s1;
	s8 =	simm.s32 @!p0 $0x1BF5;
	p2 =	por !p2, p0  }
0x20: {  	[sflag:s8] =	ssyncset.s32 @!p0 $0xFFFFF086;
	s6 =	sadd.s32 @!p0 s3, s7;
	s7 =	simm.s32 @!p0 $0x108  }
0x21: {  	s3 =	sadd.s32 s3, s9;
	s6 =	sadd.s32 @!p0 $0x88, s6;
	s7 =	simm.s32 @p2 $0x1082  }
0x22: {  	[simem:s7], [sflag:s8] =	dma.local @!p0 [hbm:s6], $0xF7A  }
0x23: {  	s9 =	sor.u32 $0xD0000000, s2;
	s6 =	simm.s32 $0x108;
	_ =	swait.ge @!p0 [sflag:s8], $0x0  }
0x24: {  	s3 =	sadd.s32 $0x88, s3;
	s6 =	simm.s32 @!p1 $0x1082;
	[sflag:s4] =	ssyncset.s32 $0xFFFFF086  }
0x25: {  	[simem:s6], [sflag:s4] =	dma.local [hbm:s3], $0xF7A  }
0x26: {  	[smem:$0x3F97] =	sst s1;
	(tag) =	ssettag s2;
	_ =	strace s9  }
0x27: {  	s1 =	sld [smem:$0x3FA7]  }
0x28: {  	s2 =	sld [smem:$0x3FA8]  }
0x29: {  	s4 =	sld [smem:$0x3FAA]  }
0x2a: {  	p0 =	seq.s32 s5, $0x0;
	s5 =	sld [smem:$0x3FAB]  }
0x2b: {  	s6 =	sld [smem:$0x3FAC]  }
0x2c: {  	s7 =	sld [smem:$0x3FAD]  }
0x2d: {  	s3 =	simm.s32 $0x108;
	s8 =	sld [smem:$0x3FAE]  }
0x2e: {  	s3 =	simm.s32 @!p0 $0x1082;
	s9 =	sld [smem:$0x3FAF]  }
0x2f: {  	lr =	sadd.s32 s0, s3;
	s0 =	sld [smem:$0x3FA6]  }
0x30: {  	s3 =	sld [smem:$0x3FA9]  }
0x31: {  	[smem:$0x3FB2] =	sst s10  }
0x32: {  	s10 =	sld [smem:$0x3FB0];
	_ =	sdelay $0x3  }
0x33: {  	p0 =	seq.s32 s10, $0x1;
	s10 =	sld [smem:$0x3FB2];
	_ =	sdelay $0x3  }
0x34: {  	[smem:$0x3FB2] =	sst s10  }
0x35: {  	s10 =	sld [smem:$0x3FB1];
	_ =	sdelay $0x3  }
0x36: {  	p1 =	seq.s32 s10, $0x1;
	s10 =	sld [smem:$0x3FB2];
	_ =	sdelay $0x3  }
0x37: {  	[smem:$0x3FB2] =	sst s10  }
0x38: {  	s10 =	sld [smem:$0x3FB3]  }
0x39: {  	_ = 	snop;
	(pc) =	sbr.ind lr, $3  }
0x3a: {  	_ = 	snop  }
0x3b: {  	_ = 	snop  }
0x3c: {  	p2 =	seq.s32 s10, $0x1;
	s10 =	sld [smem:$0x3FB2]  }
0x3d: {  	_ =	shalt  }
0x3e: {  	_ =	shalt  }
0x3f: {  	_ =	shalt  }
0x40: {  	_ =	shalt  }
0x41: {  	_ =	shalt  }
0x42: {  	_ =	shalt  }
0x43: {  	_ =	shalt  }
0x44: {  	_ =	shalt  }
0x45: {  	_ =	shalt  }
0x46: {  	_ =	shalt  }
0x47: {  	_ =	shalt  }
0x48: {  	_ =	shalt  }
0x49: {  	_ =	shalt  }
0x4a: {  	_ =	shalt  }
0x4b: {  	_ =	shalt  }
0x4c: {  	_ =	shalt  }
0x4d: {  	_ =	shalt  }
0x4e: {  	_ =	shalt  }
0x4f: {  	_ =	shalt  }
0x50: {  	_ =	shalt  }
0x51: {  	_ =	shalt  }
0x52: {  	_ =	shalt  }
0x53: {  	_ =	shalt  }
0x54: {  	_ =	shalt  }
0x55: {  	_ =	shalt  }
0x56: {  	_ =	shalt  }
0x57: {  	_ =	shalt  }
0x58: {  	_ =	shalt  }
0x59: {  	_ =	shalt  }
0x5a: {  	_ =	shalt  }
0x5b: {  	_ =	shalt  }
0x5c: {  	_ =	shalt  }
0x5d: {  	_ =	shalt  }
0x5e: {  	_ =	shalt  }
0x5f: {  	_ =	shalt  }
0x60: {  	_ =	shalt  }
0x61: {  	_ =	shalt  }
0x62: {  	_ =	shalt  }
0x63: {  	_ =	shalt  }
0x64: {  	_ =	shalt  }
0x65: {  	_ =	shalt  }
0x66: {  	_ =	shalt  }
0x67: {  	_ =	shalt  }
0x68: {  	_ =	shalt  }
0x69: {  	_ =	shalt  }
0x6a: {  	_ =	shalt  }
0x6b: {  	_ =	shalt  }
0x6c: {  	_ =	shalt  }
0x6d: {  	_ =	shalt  }
0x6e: {  	_ =	shalt  }
0x6f: {  	_ =	shalt  }
0x70: {  	_ =	shalt  }
0x71: {  	_ =	shalt  }
0x72: {  	_ =	shalt  }
0x73: {  	_ =	shalt  }
0x74: {  	_ =	shalt  }
0x75: {  	_ =	shalt  }
0x76: {  	_ =	shalt  }
0x77: {  	_ =	shalt  }
0x78: {  	_ =	shalt  }
0x79: {  	_ =	shalt  }
0x7a: {  	_ =	shalt  }
0x7b: {  	_ =	shalt  }
0x7c: {  	_ =	shalt  }
0x7d: {  	_ =	shalt  }
0x7e: {  	_ =	shalt  }
0x7f: {  	_ =	shalt  }
0x80: {  	_ =	shalt  }
0x81: {  	_ =	shalt  }
0x82: {  	_ =	shalt  }
0x83: {  	_ =	shalt  }
0x84: {  	_ =	shalt  }
0x85: {  	_ =	shalt  }
0x86: {  	_ =	shalt  }
0x87: {  	_ =	shalt  }
.Lfunc_end0:
.L_simem_size_0:
called_computation.2_lowered:
.L_overlay_start_0:
0x88: {  	s2 =	sld [smem:$0x3FD9]  }
0x89: {  	s3 =	sld [smem:$0x3FFE];
	_ =	sdelay $0x1  }
0x8a: {  	s1 =	srdreg.scid  }
0x8b: {  	s0 =	sand.u32 $0x1, s1  }
0x8c: {  	s17 =	sshll.u32 s0, $0xA;
	s2 =	sadd.s32 s3, s2  }
0x8d: {  	s2 =	sadd.s32 s2, s17  }
0x8e: {  	[smem:$0x3FBE] =	sst s2  }
0x8f: {  	_ = 	snop  }
0x90: {  	s2 =	sld [smem:$0x3FD0];
	(tm) =	ssettm $0x1  }
0x91: {  	s18 =	sld [smem:$0x3FFB];
	_ =	sdelay $0x3  }
0x92: {  	_ =	strace s18  }
0x93: {  	s3 =	sld [smem:$0x3FFC];
	_ =	sdelay $0x3  }
0x94: {  	_ =	strace s3  }
0x95: {  	s3 =	sld [smem:$0x3FFD];
	_ =	sdelay $0x3  }
0x96: {  	_ =	strace s3  }
0x97: {  	_ =	strace $0x8FFFFFFF  }
0x98: {  	s19 =	sld [smem:$0x3FDB];
	_ =	sdelay $0x1  }
0x99: {  	s4 =	simm.s32 $_scs_section_size  }
0x9a: {  	s5 =	simm.s32 $_size__tile_overlayer_lowered;
	s6 =	simm.s32 $_tile_overlayer_lowered  }
0x9b: {  	s22 =	simm.s32 $0x1BFF;
	s21 =	sshll.u32 s6, $0x1;
	s3 =	sadd.s32 s4, s19  }
0x9c: {  	s7 =	simm.s32 $0x0;
	s20 =	sshll.u32 s5, $0x1;
	s5 =	sadd.s32 s21, s3  }
0x9d: {  	[timem:s7], [sflag:s22] =	dma.local [hbm:s5], s20  }
0x9e: {  	_ =	swait.ge [sflag:s22], s20  }
0x9f: {  	s4 =	ssub.s32 $0x0, s20;
	[sflag:s22] =	ssyncset.done $0x0  }
0xa0: {  	[sflag:s22] =	ssyncadd.s32 s4;
	_ =	sdelay $0x1  }
0xa1: {  	s23 =	simm.s32 $0x1B8B  }
0xa2: {  	_ =	swait.ge [sflag:s23], $0x1  }
0xa3: {  	[sflag:s23] =	ssyncset.done $0x0  }
0xa4: {  	s25 =	simm.s32 $0x1B8E;
	s24 =	sld [smem:$0x3FFE];
	[sflag:s23] =	ssyncadd.s32 $0xFFFFFFFF  }
0xa5: {  	s26 =	simm.s32 $execute0_lowered;
	[smem:$0x3FD2] =	sst s25  }
0xa6: {  	s5 =	sshll.u32 s26, $0x1;
	_ =	strace $0x8000004C;
	[dreg:$0x1] =	wrdreg $0xFFFFFFFF  }
0xa7: {  	s28 =	simm.s32 $_size_execute0_lowered;
	s3 =	sadd.s32 s3, s5;
	[dreg:$0x0] =	wrdreg $0x0  }
0xa8: {  	s5 =	sshll.u32 s28, $0x1;
	[dreg:$0x2] =	wrdreg s3  }
0xa9: {  	[dreg:$0x3] =	wrdreg s5  }
0xaa: {  	[dreg:$0x4] =	wrdreg $0xC0  }
0xab: {  	_ =	task [dreg:s7], $0x5FFFF  }
0xac: {  	[dreg:$0x1] =	wrdreg $0xFFFFFFFF  }
0xad: {  	[dreg:$0x0] =	wrdreg $0x60  }
0xae: {  	[dreg:$0x2] =	wrdreg s2  }
0xaf: {  	[dreg:$0x3] =	wrdreg s24  }
0xb0: {  	[dreg:$0x4] =	wrdreg $0x90000  }
0xb1: {  	[dreg:$0x5] =	wrdreg $0x9  }
0xb2: {  	_ =	task.clear_ibuf [dreg:s7], $0x6FFFF;
	_ =	strace $0x9000004C  }
0xb3: {  	s29 =	simm.s32 $0x9;
	_ =	strace $0x8000004E  }
0xb4: {  	_ =	swait.ge [sflag:s29], $0x1  }
0xb5: {  	[sflag:s29] =	ssyncadd.s32 $0xFFFFFFFF  }
0xb6: {  	_ =	strace $0x9000004E  }
0xb7: {  	_ =	sfence  }
0xb8: {  	s30 =	sld [smem:$0x0];
	_ =	sdelay $0x2  }
0xb9: {  	s31 =	sshll.u32 s1, $0xD;
	s1 =	sshrl.u32 s1, $0x2  }
0xba: {  	s3 =	sand.u32 $0x4000, s31;
	s1 =	sadd.s32 s1, s30  }
0xbb: {  	s0 =	sor.u32 s3, s0;
	s1 =	sshll.u32 s1, $0x11  }
0xbc: {  	s0 =	sor.u32 s1, s0  }
0xbd: {  	s0 =	sadd.s32 $0x8F2B, s0  }
0xbe: {  	[sflag:s0] =	ssyncadd.remote.s32 $0x1  }
0xbf: {  	_ =	sfence.sel $0xFFFF  }
0xc0: {  	[dreg:$0x0] =	wrdreg $0xFFFFFFFF;
	(pc) =	sbr.abs _section_cstart, $3  }
0xc1: {  	[dreg:$0x1] =	wrdreg $0xFFFFFFFF  }
0xc2: {  	_ =	task.clear_ibuf [dreg:s7], $0x2FFFF;
	_ =	strace $0x9FFFFFFF  }
0xc3: {  	(tm) =	ssettm $0x7FFFFFFF  }
tec
execute0_lowered:
.L_overlay_start_1:
0x0: {  	(tag) =	ssettag $0x1  }
0x1: {  	s1 =	rddreg [dreg:$0x0]  }
0x2: {  	s0 =	srdreg.scid;
	s7 =	rddreg [dreg:$0x1]  }
0x3: {  	s3 =	rddreg [dreg:$0x2];
	s4 =	simm.s32 $0x0;
	s14 =	simm.s32 $0x80  }
0x4: {  	s15 =	simm.s32 $0x5000;
	s16 =	simm.s32 $0x1;
	s6 =	sand.u32 $0x1, s0  }
0x5: {  	s17 =	simm.s32 $0x0;
	s0 =	stileid.u32;
	s8 =	smul.u32 $0x13C000, s6  }
0x6: {  	[smem:$0x7FF] =	sst s4;
	s2 =	sshll.u32 s6, $0x4;
	s9 =	smul.u32 $0x13C00, s0  }
0x7: {  	s28 =	smul.u32 $0x4E200, s0;
	s6 =	ssub.s32 $0x2, s6;
	s2 =	sor.u32 s0, s2  }
0x8: {  	s31 =	sshll.u32 s0, $0x6;
	s29 =	sshrl.u32 s6, $0x1;
	s5 =	smul.u32 $0x500, s2  }
0x9: {  	s2 =	rddreg [dreg:$0x3];
	_ =	strace $0x8000004D;
	s8 =	sadd.s32 s9, s8  }
0xa: {  	s30 =	sshrl.u32 s28, $0x2;
	s12 =	ssub.s32 s6, s29;
	s6 =	sor.u32 $0x1C02, s31  }
0xb: {  	s8 =	sshrl.u32 s8, $0x3;
	s13 =	sadd.s32 s30, s3;
	s10 =	sadd.s32 s5, s7  }
0xc: {  	s5 =	sadd.s32 $0x2200, s7;
	s11 =	sadd.s32 s8, s7;
	s7 =	sadd.s32 $0x54400, s10  }
0xd: {  	s8 =	sadd.s32 $0x5E400, s10;
	s9 =	sadd.s32 $0x4A00, s11;
	s10 =	smax.u32 s12, $0x1  }
0xe: {  	s11 =	sshrl.u32 s13, $0x3;
	s12 =	simm.s32 $0x2;
	s13 =	simm.s32 $0x2800  }
.LBB2_1:
0xf: {  	[spmem:s11], [sflag:s6] =	dma.local [hbm:s5], $0x2710  }
0x10: {  	_ =	swait.ge [sflag:s12], $0x2710  }
0x11: {  	[sflag:s12] =	ssyncset.done $0x0  }
0x12: {  	[sflag:s12] =	ssyncadd.s32 $0xFFFFD8F0  }
0x13: {  	[tilespmem:s4], [sflag:$0x2] =	stream.linear.gather [hbm4b:s7+s4], $0x2780, $0x38;
	[tilespmem:$0x1C8C0] =	vst v63  }
0x14: {  	_ =	swait.ge [sflag:s12], $0x2780  }
0x15: {  	[sflag:s12] =	ssyncset.done $0x0  }
0x16: {  	[sflag:s12] =	ssyncadd.s32 $0xFFFFD880  }
0x17: {  	[tilespmem:s13], [sflag:$0x2] =	stream.linear.gather [hbm4b:s8+s4], $0x2780, $0x38;
	[tilespmem:$0x1C8C0] =	vst v63  }
0x18: {  	_ =	swait.ge [sflag:s12], $0x2780  }
0x19: {  	[sflag:s12] =	ssyncset.done $0x0  }
0x1a: {  	[sflag:s12] =	ssyncadd.s32 $0xFFFFD880  }
0x1b: {  	s18 =	simm.s32 $0x0;
	[bflag:$0x0] =	sbarrier.arrive $0xFFFF  }
0x1c: {  	[tilespmem:s15], [sflag:$0x1] =	stream.indirect.gather [hbm4b:s1+s14], $0x80, s18, s14, $0xb8;
	[tilespmem:$0x1C8C0] =	vst v63  }
0x1d: {  	_ =	swait.ge [sflag:s16], $0x4000  }
0x1e: {  	[sflag:s16] =	ssyncset.done $0x0  }
0x1f: {  	s31 =	simm.s32 $0x2800;
	[sflag:s16] =	ssyncadd.s32 $0xFFFFC000  }
0x20: {  	[spmem:s3] =	stream.indirect.scatter.add.f32 [tilespmem:s15], [sflag:$0x2], $0x80, s31, s14, $0xb8;
	[tilespmem:$0x1C8C0] =	vst v63  }
0x21: {  	_ =	swait.ge [sflag:s12], $0x4000  }
0x22: {  	s19 =	simm.s32 $0x400;
	s18 =	simm.s32 $0x200;
	[sflag:s12] =	ssyncset.done $0x0  }
.LBB2_2:
0x23: {  	s20 =	sshra.s32 s18, $0x2  }
0x24: {  	[sflag:s12] =	ssyncadd.s32 $0xFFFFC000;
	s18 =	smov.u32 s19;
	s21 =	sadd.s32 $0x200, s19  }
0x25: {  	[tilespmem:s15], [sflag:$0x1] =	stream.indirect.gather [hbm4b:s1+s14], $0x80, s20, s14, $0xb8;
	[tilespmem:$0x1C8C0] =	vst v63  }
0x26: {  	p0 =	sne.s32 s19, $0x9C00;
	_ =	swait.ge [sflag:s16], $0x4000  }
.Ltmp0:
0x27: {  	[sflag:s16] =	ssyncset.done $0x0;
	(pc) =	sbr.rel @p0 .LBB2_2-.Ltmp0, $4  }
0x28: {  	s19 =	sadd.s32 $0x2800, s20;
	[sflag:s16] =	ssyncadd.s32 $0xFFFFC000  }
0x29: {  	[spmem:s3] =	stream.indirect.scatter.add.f32 [tilespmem:s15], [sflag:$0x2], $0x80, s19, s14, $0xb8;
	[tilespmem:$0x1C8C0] =	vst v63  }
0x2a: {  	_ =	swait.ge [sflag:s12], $0x4000  }
0x2b: {  	s19 =	smov.u32 s21;
	[sflag:s12] =	ssyncset.done $0x0  }
0x2c: {  	s18 =	sshra.s32 s18, $0x2;
	[sflag:s12] =	ssyncadd.s32 $0xFFFFC000  }
0x2d: {  	[tilespmem:s15], [sflag:$0x1] =	stream.indirect.gather [hbm4b:s1+s14], $0x80, s18, s14, $0xb8;
	[tilespmem:$0x1C8C0] =	vst v63  }
0x2e: {  	_ =	swait.ge [sflag:s16], $0x4000  }
0x2f: {  	[sflag:s16] =	ssyncset.done $0x0  }
0x30: {  	s18 =	sadd.s32 $0x2800, s18;
	[sflag:s16] =	ssyncadd.s32 $0xFFFFC000  }
0x31: {  	[spmem:s3] =	stream.indirect.scatter.add.f32 [tilespmem:s15], [sflag:$0x2], $0x80, s18, s14, $0xb8;
	[tilespmem:$0x1C8C0] =	vst v63  }
0x32: {  	_ =	swait.ge [sflag:s12], $0x4000  }
0x33: {  	s17 =	sadd.s32 $0x1, s17;
	[sflag:s12] =	ssyncset.done $0x0  }
0x34: {  	p0 =	sne.s32 s17, s10;
	[sflag:s12] =	ssyncadd.s32 $0xFFFFC000  }
.Ltmp1:
0x35: {  	[bflag:$0x0] =	sbarrier.arrive $0xFFFF;
	(pc) =	sbr.rel @p0 .LBB2_1-.Ltmp1, $4  }
0x36: {  	[hbm:s9], [sflag:s6] =	dma.local [spmem:s11], $0x2710  }
0x37: {  	_ =	swait.ge [sflag:s12], $0x2710  }
0x38: {  	[sflag:s12] =	ssyncset.done $0x0  }
0x39: {  	[sflag:s12] =	ssyncadd.s32 $0xFFFFD8F0  }
0x3a: {  	_ =	sfence.sel $0x180000  }
0x3b: {  	[bflag:$0x0] =	sbarrier.arrive $0xFFFF  }
0x3c: {  	p0 =	sne.s32 s0, $0x0;
	_ =	strace $0x9000004D  }
0x3d: {  	s0 =	sadd.s32 @!p0 $0x100000, s2;
	[bflag:$0x2] =	sbarrier.arrive $0xFFFF  }
0x3e: {  	[sflag:s0] =	ssyncadd.tile.s32 @!p0 $0x1;
	_ =	shalt  }
.Lfunc_end2:
_tile_overlayer_lowered:
.L_overlay_start_2:
0x3f: {  	(tag) =	ssettag $0x2  }
0x40: {  	s0 =	rddreg [dreg:$0x0];
	s2 =	stileid.u32  }
0x41: {  	s1 =	rddreg [dreg:$0x1];
	p0 =	sne.s32 s2, $0x0  }
0x42: {  	s3 =	rddreg [dreg:$0x2];
	[bflag:$0x3] =	sbarrier.arrive $0xFFFF;
	s2 =	simm.s32 @!p0 $0x1C02  }
0x43: {  	[timem:s3], [sflag:s2] =	dma.local @!p0 [hbm:s0], s1  }
0x44: {  	s0 =	simm.s32 @!p0 $0x2  }
0x45: {  	_ =	swait.ge @!p0 [sflag:s0], s1  }
0x46: {  	s1 =	ssub.s32 @!p0 $0x0, s1;
	[sflag:s0] =	ssyncset.done @!p0 $0x0  }
0x47: {  	[sflag:s0] =	ssyncadd.s32 @!p0 s1  }
0x48: {  	[bflag:$0x3] =	sbarrier.arrive $0xFFFF  }
0x49: {  	_ =	shalt  }

// kernel: kernel.8.cloned.1.call-start
scs
__scs_entry_jumppad:
0x0: {  	(pc) =	sbr.rel $0x88, $3  }
0x1: {  	(tag) =	ssettag $0x0;
	lr =	simm.s32 $0x1  }
0x2: {  	[smem:$0x3F97] =	sst lr;
	_ =	strace $0xD0000000  }
0x3: {  	_ = 	snop  }
0x4: {  	_ = 	snop  }
0x5: {  	_ = 	snop  }
0x6: {  	_ = 	snop  }
0x7: {  	_ = 	snop  }
__scs_overlays_trampoline_lowered:
0x8: {  	[smem:$0x3FA6] =	sst s0  }
0x9: {  	[smem:$0x3FA7] =	sst s1  }
0xa: {  	[smem:$0x3FA8] =	sst s2  }
0xb: {  	[smem:$0x3FA9] =	sst s3  }
0xc: {  	[smem:$0x3FAA] =	sst s4  }
0xd: {  	[smem:$0x3FAB] =	sst s5  }
0xe: {  	[smem:$0x3FAC] =	sst s6  }
0xf: {  	[smem:$0x3FAD] =	sst s7  }
0x10: {  	[smem:$0x3FAE] =	sst s8  }
0x11: {  	[smem:$0x3FAF] =	sst s9;
	s0 =	simm.s32 @!p0 $0x0  }
0x12: {  	s1 =	sld [smem:$0x3F95];
	s0 =	simm.s32 @p0 $0x1  }
0x13: {  	[smem:$0x3FB0] =	sst s0;
	s0 =	simm.s32 @!p1 $0x0  }
0x14: {  	s2 =	sld [smem:$0x3F94];
	s0 =	simm.s32 @p1 $0x1  }
0x15: {  	[smem:$0x3FB1] =	sst s0;
	s0 =	simm.s32 @!p2 $0x0  }
0x16: {  	s3 =	sld [smem:$0x3FDB];
	s0 =	simm.s32 @p2 $0x1  }
0x17: {  	s4 =	simm.s32 $0x1BF5;
	[smem:$0x3FB3] =	sst s0  }
0x18: {  	s0 =	sld [smem:$0x3F96];
	_ =	swait.ge [sflag:s4], $0x0  }
0x19: {  	s7 =	sld [smem:$0x3F97]  }
0x1a: {  	s8 =	sadd.s32 $0xFFFFE003, lr  }
0x1b: {  	s9 =	sadd.s32 $0xFFFFFEF7, lr;
	s5 =	simm.s32 $0xFFFFFFFF;
	p2 =	slt.u32 s8, $0xFFFFF086  }
0x1c: {  	p1 =	slt.u32 s9, $0xF7A;
	s5 =	simm.s32 @!p2 $0x0  }
0x1d: {  	s5 =	simm.s32 @p1 $0x1;
	p0 =	seq.s32 s7, s2  }
0x1e: {  	s7 =	smul.u32 @!p0 $0xF7A, s2;
	p2 =	seq.s32 @!p0 s5, $0x0  }
0x1f: {  	s9 =	smul.u32 $0xF7A, s1;
	s8 =	simm.s32 @!p0 $0x1BF5;
	p2 =	por !p2, p0  }
0x20: {  	[sflag:s8] =	ssyncset.s32 @!p0 $0xFFFFF086;
	s6 =	sadd.s32 @!p0 s3, s7;
	s7 =	simm.s32 @!p0 $0x108  }
0x21: {  	s3 =	sadd.s32 s3, s9;
	s6 =	sadd.s32 @!p0 $0x88, s6;
	s7 =	simm.s32 @p2 $0x1082  }
0x22: {  	[simem:s7], [sflag:s8] =	dma.local @!p0 [hbm:s6], $0xF7A  }
0x23: {  	s9 =	sor.u32 $0xD0000000, s2;
	s6 =	simm.s32 $0x108;
	_ =	swait.ge @!p0 [sflag:s8], $0x0  }
0x24: {  	s3 =	sadd.s32 $0x88, s3;
	s6 =	simm.s32 @!p1 $0x1082;
	[sflag:s4] =	ssyncset.s32 $0xFFFFF086  }
0x25: {  	[simem:s6], [sflag:s4] =	dma.local [hbm:s3], $0xF7A  }
0x26: {  	[smem:$0x3F97] =	sst s1;
	(tag) =	ssettag s2;
	_ =	strace s9  }
0x27: {  	s1 =	sld [smem:$0x3FA7]  }
0x28: {  	s2 =	sld [smem:$0x3FA8]  }
0x29: {  	s4 =	sld [smem:$0x3FAA]  }
0x2a: {  	p0 =	seq.s32 s5, $0x0;
	s5 =	sld [smem:$0x3FAB]  }
0x2b: {  	s6 =	sld [smem:$0x3FAC]  }
0x2c: {  	s7 =	sld [smem:$0x3FAD]  }
0x2d: {  	s3 =	simm.s32 $0x108;
	s8 =	sld [smem:$0x3FAE]  }
0x2e: {  	s3 =	simm.s32 @!p0 $0x1082;
	s9 =	sld [smem:$0x3FAF]  }
0x2f: {  	lr =	sadd.s32 s0, s3;
	s0 =	sld [smem:$0x3FA6]  }
0x30: {  	s3 =	sld [smem:$0x3FA9]  }
0x31: {  	[smem:$0x3FB2] =	sst s10  }
0x32: {  	s10 =	sld [smem:$0x3FB0];
	_ =	sdelay $0x3  }
0x33: {  	p0 =	seq.s32 s10, $0x1;
	s10 =	sld [smem:$0x3FB2];
	_ =	sdelay $0x3  }
0x34: {  	[smem:$0x3FB2] =	sst s10  }
0x35: {  	s10 =	sld [smem:$0x3FB1];
	_ =	sdelay $0x3  }
0x36: {  	p1 =	seq.s32 s10, $0x1;
	s10 =	sld [smem:$0x3FB2];
	_ =	sdelay $0x3  }
0x37: {  	[smem:$0x3FB2] =	sst s10  }
0x38: {  	s10 =	sld [smem:$0x3FB3]  }
0x39: {  	_ = 	snop;
	(pc) =	sbr.ind lr, $3  }
0x3a: {  	_ = 	snop  }
0x3b: {  	_ = 	snop  }
0x3c: {  	p2 =	seq.s32 s10, $0x1;
	s10 =	sld [smem:$0x3FB2]  }
0x3d: {  	_ =	shalt  }
0x3e: {  	_ =	shalt  }
0x3f: {  	_ =	shalt  }
0x40: {  	_ =	shalt  }
0x41: {  	_ =	shalt  }
0x42: {  	_ =	shalt  }
0x43: {  	_ =	shalt  }
0x44: {  	_ =	shalt  }
0x45: {  	_ =	shalt  }
0x46: {  	_ =	shalt  }
0x47: {  	_ =	shalt  }
0x48: {  	_ =	shalt  }
0x49: {  	_ =	shalt  }
0x4a: {  	_ =	shalt  }
0x4b: {  	_ =	shalt  }
0x4c: {  	_ =	shalt  }
0x4d: {  	_ =	shalt  }
0x4e: {  	_ =	shalt  }
0x4f: {  	_ =	shalt  }
0x50: {  	_ =	shalt  }
0x51: {  	_ =	shalt  }
0x52: {  	_ =	shalt  }
0x53: {  	_ =	shalt  }
0x54: {  	_ =	shalt  }
0x55: {  	_ =	shalt  }
0x56: {  	_ =	shalt  }
0x57: {  	_ =	shalt  }
0x58: {  	_ =	shalt  }
0x59: {  	_ =	shalt  }
0x5a: {  	_ =	shalt  }
0x5b: {  	_ =	shalt  }
0x5c: {  	_ =	shalt  }
0x5d: {  	_ =	shalt  }
0x5e: {  	_ =	shalt  }
0x5f: {  	_ =	shalt  }
0x60: {  	_ =	shalt  }
0x61: {  	_ =	shalt  }
0x62: {  	_ =	shalt  }
0x63: {  	_ =	shalt  }
0x64: {  	_ =	shalt  }
0x65: {  	_ =	shalt  }
0x66: {  	_ =	shalt  }
0x67: {  	_ =	shalt  }
0x68: {  	_ =	shalt  }
0x69: {  	_ =	shalt  }
0x6a: {  	_ =	shalt  }
0x6b: {  	_ =	shalt  }
0x6c: {  	_ =	shalt  }
0x6d: {  	_ =	shalt  }
0x6e: {  	_ =	shalt  }
0x6f: {  	_ =	shalt  }
0x70: {  	_ =	shalt  }
0x71: {  	_ =	shalt  }
0x72: {  	_ =	shalt  }
0x73: {  	_ =	shalt  }
0x74: {  	_ =	shalt  }
0x75: {  	_ =	shalt  }
0x76: {  	_ =	shalt  }
0x77: {  	_ =	shalt  }
0x78: {  	_ =	shalt  }
0x79: {  	_ =	shalt  }
0x7a: {  	_ =	shalt  }
0x7b: {  	_ =	shalt  }
0x7c: {  	_ =	shalt  }
0x7d: {  	_ =	shalt  }
0x7e: {  	_ =	shalt  }
0x7f: {  	_ =	shalt  }
0x80: {  	_ =	shalt  }
0x81: {  	_ =	shalt  }
0x82: {  	_ =	shalt  }
0x83: {  	_ =	shalt  }
0x84: {  	_ =	shalt  }
0x85: {  	_ =	shalt  }
0x86: {  	_ =	shalt  }
0x87: {  	_ =	shalt  }
.Lfunc_end0:
.L_simem_size_0:
called_computation_lowered:
.L_overlay_start_0:
0x88: {  	s2 =	sld [smem:$0x3FD9]  }
0x89: {  	s3 =	sld [smem:$0x3FFE];
	_ =	sdelay $0x1  }
0x8a: {  	s1 =	srdreg.scid  }
0x8b: {  	s0 =	sand.u32 $0x1, s1  }
0x8c: {  	s17 =	sshll.u32 s0, $0xA;
	s2 =	sadd.s32 s3, s2  }
0x8d: {  	s2 =	sadd.s32 s2, s17  }
0x8e: {  	[smem:$0x3FBE] =	sst s2  }
0x8f: {  	_ = 	snop  }
0x90: {  	s2 =	sld [smem:$0x3FD0];
	(tm) =	ssettm $0x1  }
0x91: {  	s18 =	sld [smem:$0x3FFB];
	_ =	sdelay $0x3  }
0x92: {  	_ =	strace s18  }
0x93: {  	s3 =	sld [smem:$0x3FFC];
	_ =	sdelay $0x3  }
0x94: {  	_ =	strace s3  }
0x95: {  	s3 =	sld [smem:$0x3FFD];
	_ =	sdelay $0x3  }
0x96: {  	_ =	strace s3  }
0x97: {  	_ =	strace $0x8FFFFFFF  }
0x98: {  	s19 =	sld [smem:$0x3FDB];
	_ =	sdelay $0x1  }
0x99: {  	s4 =	simm.s32 $_scs_section_size  }
0x9a: {  	s5 =	simm.s32 $_size__tile_overlayer_lowered;
	s6 =	simm.s32 $_tile_overlayer_lowered  }
0x9b: {  	s22 =	simm.s32 $0x1BFF;
	s21 =	sshll.u32 s6, $0x1;
	s3 =	sadd.s32 s4, s19  }
0x9c: {  	s7 =	simm.s32 $0x0;
	s20 =	sshll.u32 s5, $0x1;
	s5 =	sadd.s32 s21, s3  }
0x9d: {  	[timem:s7], [sflag:s22] =	dma.local [hbm:s5], s20  }
0x9e: {  	_ =	swait.ge [sflag:s22], s20  }
0x9f: {  	s4 =	ssub.s32 $0x0, s20;
	[sflag:s22] =	ssyncset.done $0x0  }
0xa0: {  	[sflag:s22] =	ssyncadd.s32 s4;
	_ =	sdelay $0x1  }
0xa1: {  	s23 =	simm.s32 $0x1B8B  }
0xa2: {  	_ =	swait.ge [sflag:s23], $0x1  }
0xa3: {  	[sflag:s23] =	ssyncset.done $0x0  }
0xa4: {  	s25 =	simm.s32 $0x1B8E;
	s24 =	sld [smem:$0x3FFE];
	[sflag:s23] =	ssyncadd.s32 $0xFFFFFFFF  }
0xa5: {  	s26 =	simm.s32 $execute0_lowered;
	[smem:$0x3FD2] =	sst s25  }
0xa6: {  	s5 =	sshll.u32 s26, $0x1;
	_ =	strace $0x80000046;
	[dreg:$0x1] =	wrdreg $0xFFFFFFFF  }
0xa7: {  	s28 =	simm.s32 $_size_execute0_lowered;
	s3 =	sadd.s32 s3, s5;
	[dreg:$0x0] =	wrdreg $0x0  }
0xa8: {  	s5 =	sshll.u32 s28, $0x1;
	[dreg:$0x2] =	wrdreg s3  }
0xa9: {  	[dreg:$0x3] =	wrdreg s5  }
0xaa: {  	[dreg:$0x4] =	wrdreg $0xC0  }
0xab: {  	_ =	task [dreg:s7], $0x5FFFF  }
0xac: {  	[dreg:$0x1] =	wrdreg $0xFFFFFFFF  }
0xad: {  	[dreg:$0x0] =	wrdreg $0x60  }
0xae: {  	[dreg:$0x2] =	wrdreg s2  }
0xaf: {  	[dreg:$0x3] =	wrdreg s24  }
0xb0: {  	[dreg:$0x4] =	wrdreg $0x68000  }
0xb1: {  	[dreg:$0x5] =	wrdreg $0x9  }
0xb2: {  	_ =	task.clear_ibuf [dreg:s7], $0x6FFFF;
	_ =	strace $0x90000046  }
0xb3: {  	s29 =	simm.s32 $0x9;
	_ =	strace $0x80000048  }
0xb4: {  	_ =	swait.ge [sflag:s29], $0x1  }
0xb5: {  	[sflag:s29] =	ssyncadd.s32 $0xFFFFFFFF  }
0xb6: {  	_ =	strace $0x90000048  }
0xb7: {  	_ =	sfence  }
0xb8: {  	s30 =	sld [smem:$0x0];
	_ =	sdelay $0x2  }
0xb9: {  	s31 =	sshll.u32 s1, $0xD;
	s1 =	sshrl.u32 s1, $0x2  }
0xba: {  	s3 =	sand.u32 $0x4000, s31;
	s1 =	sadd.s32 s1, s30  }
0xbb: {  	s0 =	sor.u32 s3, s0;
	s1 =	sshll.u32 s1, $0x11  }
0xbc: {  	s0 =	sor.u32 s1, s0  }
0xbd: {  	s0 =	sadd.s32 $0x8F2B, s0  }
0xbe: {  	[sflag:s0] =	ssyncadd.remote.s32 $0x1  }
0xbf: {  	_ =	sfence.sel $0xFFFF  }
0xc0: {  	[dreg:$0x0] =	wrdreg $0xFFFFFFFF;
	(pc) =	sbr.abs _section_cstart, $3  }
0xc1: {  	[dreg:$0x1] =	wrdreg $0xFFFFFFFF  }
0xc2: {  	_ =	task.clear_ibuf [dreg:s7], $0x2FFFF;
	_ =	strace $0x9FFFFFFF  }
0xc3: {  	(tm) =	ssettm $0x7FFFFFFF  }
tec
execute0_lowered:
.L_overlay_start_1:
0x0: {  	(tag) =	ssettag $0x1  }
0x1: {  	s6 =	rddreg [dreg:$0x0]  }
0x2: {  	s7 =	rddreg [dreg:$0x1]  }
0x3: {  	s1 =	rddreg [dreg:$0x2]  }
0x4: {  	s0 =	rddreg [dreg:$0x3];
	s3 =	simm.s32 $0x0;
	s2 =	srdreg.scid  }
0x5: {  	s13 =	simm.s32 $0x80;
	[smem:$0x7FF] =	sst s3;
	s8 =	sand.u32 $0x1, s2  }
0x6: {  	s14 =	simm.s32 $0x0;
	s2 =	stileid.u32;
	s9 =	smul.u32 $0x13C000, s8  }
0x7: {  	s4 =	sadd.s32 $0x4A00, s7;
	s5 =	sadd.s32 $0x2200, s7;
	s10 =	smul.u32 $0x13C00, s2  }
0x8: {  	_ =	strace $0x80000047;
	s11 =	sshll.u32 s8, $0x4;
	s29 =	smul.u32 $0x4E200, s2  }
0x9: {  	s8 =	ssub.s32 $0x2, s8;
	s31 =	sshll.u32 s2, $0x6;
	s11 =	sor.u32 s2, s11  }
0xa: {  	s30 =	sshrl.u32 s8, $0x1;
	s9 =	sadd.s32 s10, s9;
	s11 =	smul.u32 $0x500, s11  }
0xb: {  	s10 =	sshrl.u32 s29, $0x2;
	s8 =	ssub.s32 s8, s30;
	s9 =	sshrl.u32 s9, $0x3  }
0xc: {  	s12 =	sadd.s32 s10, s1;
	s8 =	smax.u32 s8, $0x1;
	s10 =	simm.s32 $0x1  }
0xd: {  	s7 =	sadd.s32 s9, s7;
	s6 =	sadd.s32 s6, s11;
	s9 =	simm.s32 $0x2800  }
0xe: {  	s11 =	sor.u32 $0x1C01, s31;
	s12 =	sshrl.u32 s12, $0x3;
	s7 =	sadd.s32 $0x5200, s7  }
.LBB2_1:
0xf: {  	[tilespmem:s9], [sflag:$0x1] =	stream.linear.gather [hbm4b:s4+s3], $0x4000, $0x38;
	[tilespmem:$0x1A0C0] =	vst v63  }
0x10: {  	_ =	swait.ge [sflag:s10], $0x4000  }
0x11: {  	[sflag:s10] =	ssyncset.done $0x0  }
0x12: {  	[sflag:s10] =	ssyncadd.s32 $0xFFFFC000  }
0x13: {  	[spmem:s12], [sflag:s11] =	dma.local [hbm:s5], $0x2710  }
0x14: {  	_ =	swait.ge [sflag:s10], $0x2710  }
0x15: {  	[sflag:s10] =	ssyncset.done $0x0  }
0x16: {  	[sflag:s10] =	ssyncadd.s32 $0xFFFFD8F0  }
0x17: {  	[tilespmem:s3], [sflag:$0x1] =	stream.linear.gather [hbm4b:s6+s3], $0x2780, $0x38;
	[tilespmem:$0x1A0C0] =	vst v63  }
0x18: {  	_ =	swait.ge [sflag:s10], $0x2780  }
0x19: {  	[sflag:s10] =	ssyncset.done $0x0  }
0x1a: {  	[sflag:s10] =	ssyncadd.s32 $0xFFFFD880  }
0x1b: {  	s15 =	simm.s32 $0x0;
	[bflag:$0x0] =	sbarrier.arrive $0xFFFF  }
0x1c: {  	[spmem:s1] =	stream.indirect.scatter.add.f32 [tilespmem:s9], [sflag:$0x1], $0x80, s15, s13, $0xb8;
	[tilespmem:$0x1A0C0] =	vst v63  }
0x1d: {  	_ =	swait.ge [sflag:s10], $0x4000  }
0x1e: {  	s15 =	simm.s32 $0x200;
	[sflag:s10] =	ssyncset.done $0x0  }
.LBB2_2:
0x1f: {  	s16 =	sshra.s32 s15, $0x2;
	[sflag:s10] =	ssyncadd.s32 $0xFFFFC000;
	p0 =	sne.s32 s15, $0x9C00  }
0x20: {  	[spmem:s1] =	stream.indirect.scatter.add.f32 [tilespmem:s9], [sflag:$0x1], $0x80, s16, s13, $0xb8;
	[tilespmem:$0x1A0C0] =	vst v63  }
.Ltmp0:
0x21: {  	_ = 	snop;
	(pc) =	sbr.rel @p0 .LBB2_2-.Ltmp0, $4  }
0x22: {  	_ = 	snop  }
0x23: {  	s15 =	sadd.s32 $0x200, s15  }
0x24: {  	_ =	swait.ge [sflag:s10], $0x4000  }
0x25: {  	[sflag:s10] =	ssyncset.done $0x0  }
0x26: {  	s14 =	sadd.s32 $0x1, s14  }
0x27: {  	[sflag:s10] =	ssyncadd.s32 $0xFFFFC000;
	p0 =	sne.s32 s14, s8  }
.Ltmp1:
0x28: {  	[bflag:$0x0] =	sbarrier.arrive $0xFFFF;
	(pc) =	sbr.rel @p0 .LBB2_1-.Ltmp1, $4  }
0x29: {  	[hbm:s7], [sflag:s11] =	dma.local [spmem:s12], $0x2710  }
0x2a: {  	_ =	swait.ge [sflag:s10], $0x2710  }
0x2b: {  	[sflag:s10] =	ssyncset.done $0x0  }
0x2c: {  	[sflag:s10] =	ssyncadd.s32 $0xFFFFD8F0  }
0x2d: {  	_ =	sfence.sel $0x180000  }
0x2e: {  	[bflag:$0x0] =	sbarrier.arrive $0xFFFF  }
0x2f: {  	p0 =	sne.s32 s2, $0x0;
	_ =	strace $0x90000047  }
0x30: {  	s0 =	sadd.s32 @!p0 $0x100000, s0;
	[bflag:$0x2] =	sbarrier.arrive $0xFFFF  }
0x31: {  	[sflag:s0] =	ssyncadd.tile.s32 @!p0 $0x1;
	_ =	shalt  }
.Lfunc_end2:
_tile_overlayer_lowered:
.L_overlay_start_2:
0x32: {  	(tag) =	ssettag $0x2  }
0x33: {  	s0 =	rddreg [dreg:$0x0];
	s2 =	stileid.u32  }
0x34: {  	s1 =	rddreg [dreg:$0x1];
	p0 =	sne.s32 s2, $0x0  }
0x35: {  	s3 =	rddreg [dreg:$0x2];
	[bflag:$0x3] =	sbarrier.arrive $0xFFFF;
	s2 =	simm.s32 @!p0 $0x1C01  }
0x36: {  	[timem:s3], [sflag:s2] =	dma.local @!p0 [hbm:s0], s1  }
0x37: {  	s0 =	simm.s32 @!p0 $0x1  }
0x38: {  	_ =	swait.ge @!p0 [sflag:s0], s1  }
0x39: {  	s1 =	ssub.s32 @!p0 $0x0, s1;
	[sflag:s0] =	ssyncset.done @!p0 $0x0  }
0x3a: {  	[sflag:s0] =	ssyncadd.s32 @!p0 s1  }
0x3b: {  	[bflag:$0x3] =	sbarrier.arrive $0xFFFF  }
0x3c: {  	_ =	shalt  }

</sc_bundles>
